<compile_context>
chip_gen: v7x
topology: tpu7x:2x2x1
jax: 0.10.2.dev20260603
libtpu: 0.0.44.dev20260713+nightly
codegen_flags: <defaults>
</compile_context>

<pallas_src>
import jax
import jax.numpy as jnp
import numpy as np
from jax.experimental import pallas as pl

STRIDES = (8.0, 16.0, 32.0)
ANCHORS_NP = np.array([[[10, 13], [16, 30], [33, 23]], [[30, 61], [62, 45], [59, 119]], [[116, 90], [156, 198], [373, 326]]], dtype=np.float32)
SCORE_THRESH = 0.25
NMS_THRESH = 0.45
DETECTIONS = 300
K_PRE = 1000
MAX_SIZE = 4096.0
IM_H = 640.0
IM_W = 640.0
NC = 80


def _decode(pred, stride, anchor_wh):
    p = jax.nn.sigmoid(pred)
    B, Y, X, A, C = p.shape
    yv, xv = jnp.meshgrid(jnp.arange(Y, dtype=jnp.float32), jnp.arange(X, dtype=jnp.float32), indexing="ij")
    grid = jnp.stack((xv, yv), axis=-1)[None, :, :, None, :]
    xy = (2.0 * p[..., :2] - 0.5 + grid) * stride
    wh = 4.0 * p[..., 2:4] ** 2 * anchor_wh[None, None, None, :, :]
    obj = p[..., 4:5]
    cls = p[..., 5:]
    gate = (obj > SCORE_THRESH).astype(p.dtype)
    logits = obj * cls * gate
    boxes = jnp.concatenate([xy, wh], axis=-1).reshape(B, -1, 4)
    return boxes, logits.reshape(B, -1, C - 5)


def _box_iou(a, b):
    lt = jnp.maximum(a[:, None, :2], b[None, :, :2])
    rb = jnp.minimum(a[:, None, 2:], b[None, :, 2:])
    wh = jnp.clip(rb - lt, 0.0, None)
    inter = wh[..., 0] * wh[..., 1]
    area_a = (a[:, 2] - a[:, 0]) * (a[:, 3] - a[:, 1])
    area_b = (b[:, 2] - b[:, 0]) * (b[:, 3] - b[:, 1])
    return inter / (area_a[:, None] + area_b[None, :] - inter + 1e-7)


def _per_image(boxes_i, logits_i, scale_i):
    flat = logits_i.reshape(-1)
    s = jnp.where(flat > SCORE_THRESH, flat, -1.0)
    sc, idx = jax.lax.top_k(s, K_PRE)
    bi = idx // NC
    lab = idx % NC
    bx = boxes_i[bi]
    x1 = jnp.clip(bx[:, 0] - bx[:, 2] * 0.5, 0.0, IM_W)
    y1 = jnp.clip(bx[:, 1] - bx[:, 3] * 0.5, 0.0, IM_H)
    x2 = jnp.clip(bx[:, 0] + bx[:, 2] * 0.5, 0.0, IM_W)
    y2 = jnp.clip(bx[:, 1] + bx[:, 3] * 0.5, 0.0, IM_H)
    bxy = jnp.stack([x1, y1, x2, y2], axis=1)
    off = lab.astype(jnp.float32)[:, None] * MAX_SIZE
    nb = jax.lax.stop_gradient(bxy + off)
    iou = _box_iou(nb, nb)
    keep0 = jax.lax.stop_gradient(sc) > SCORE_THRESH

    def body(i, keep):
        sup = (iou[i] > NMS_THRESH) & (jnp.arange(K_PRE) > i) & keep[i]
        return keep & (~sup)

    keep = jax.lax.fori_loop(0, K_PRE, body, keep0)
    ks = jnp.where(keep, sc, -1.0)
    fs, fi = jax.lax.top_k(ks, DETECTIONS)
    fb = bxy[fi] / scale_i
    fl = lab[fi].astype(jnp.float32)
    m = (jax.lax.stop_gradient(fs) > SCORE_THRESH).astype(jnp.float32)
    return jnp.concatenate([fb * m[:, None], (fs * m)[:, None], (fl * m)[:, None]], axis=1)


def _identity_kernel(x_ref, o_ref):
    o_ref[...] = x_ref[...]


def kernel(pred0, pred1, pred2, scale_factors):
    preds = (pred0, pred1, pred2)
    all_boxes, all_logits = [], []
    for p, s, a in zip(preds, STRIDES, ANCHORS_NP):
        b, l = _decode(p, s, jnp.asarray(a))
        all_boxes.append(b)
        all_logits.append(l)
    boxes = jnp.concatenate(all_boxes, axis=1)
    logits = jnp.concatenate(all_logits, axis=1)
    out = jax.vmap(_per_image)(boxes, logits, scale_factors)
    return pl.pallas_call(
        _identity_kernel,
        out_shape=jax.ShapeDtypeStruct(out.shape, out.dtype),
    )(out)

# --- scband reference (transcript-rebuilt; emitter-appended) ---
"""Pipeline reference for scband-head-5549097746603 (READ-ONLY COPY).

The authoritative reference and input builder live on the scoring server;
editing this copy changes nothing except your own understanding.
"""

import jax, jax.numpy as jnp
import numpy as np

STRIDES = (8.0, 16.0, 32.0)
ANCHORS = np.array([[[10,13],[16,30],[33,23]],[[30,61],[62,45],[59,119]],[[116,90],[156,198],[373,326]]], dtype=np.float32)
SCORE_THRESH = 0.25
NMS_THRESH = 0.45
DETECTIONS = 300
K_PRE = 1000
MAX_SIZE = 4096.0
IM_H = 640.0
IM_W = 640.0
NC = 80


def setup_inputs(seed: int = 0):
    key = jax.random.key(seed)
    k0, k1, k2 = jax.random.split(key, 3)
    return {
        "pred0": jax.random.normal(k0, (8, 80, 80, 3, 85), jnp.float32),
        "pred1": jax.random.normal(k1, (8, 40, 40, 3, 85), jnp.float32),
        "pred2": jax.random.normal(k2, (8, 20, 20, 3, 85), jnp.float32),
        "scale_factors": jnp.ones((8,), jnp.float32),
    }


def _decode(pred, stride, anchor_wh):
    p = jax.nn.sigmoid(pred)
    B, Y, X, A, C = p.shape
    yv, xv = jnp.meshgrid(jnp.arange(Y, dtype=jnp.float32), jnp.arange(X, dtype=jnp.float32), indexing="ij")
    grid = jnp.stack((xv, yv), axis=-1)[None, :, :, None, :]
    xy = (2.0 * p[..., :2] - 0.5 + grid) * stride
    wh = 4.0 * p[..., 2:4] ** 2 * anchor_wh[None, None, None, :, :]
    obj = p[..., 4:5]
    cls = p[..., 5:]
    gate = (obj > SCORE_THRESH).astype(p.dtype)
    logits = obj * cls * gate
    boxes = jnp.concatenate([xy, wh], axis=-1).reshape(B, -1, 4)
    return boxes, logits.reshape(B, -1, C - 5)


def _box_iou(a, b):
    lt = jnp.maximum(a[:, None, :2], b[None, :, :2])
    rb = jnp.minimum(a[:, None, 2:], b[None, :, 2:])
    wh = jnp.clip(rb - lt, 0.0, None)
    inter = wh[..., 0] * wh[..., 1]
    area_a = (a[:, 2] - a[:, 0]) * (a[:, 3] - a[:, 1])
    area_b = (b[:, 2] - b[:, 0]) * (b[:, 3] - b[:, 1])
    return inter / (area_a[:, None] + area_b[None, :] - inter + 1e-7)


def _per_image(boxes_i, logits_i, scale_i):
    flat = logits_i.reshape(-1)
    s = jnp.where(flat > SCORE_THRESH, flat, -1.0)
    sc, idx = jax.lax.top_k(s, K_PRE)
    bi = idx // NC
    lab = idx % NC
    bx = boxes_i[bi]
    x1 = jnp.clip(bx[:, 0] - bx[:, 2] * 0.5, 0.0, IM_W)
    y1 = jnp.clip(bx[:, 1] - bx[:, 3] * 0.5, 0.0, IM_H)
    x2 = jnp.clip(bx[:, 0] + bx[:, 2] * 0.5, 0.0, IM_W)
    y2 = jnp.clip(bx[:, 1] + bx[:, 3] * 0.5, 0.0, IM_H)
    bxy = jnp.stack([x1, y1, x2, y2], axis=1)
    off = lab.astype(jnp.float32)[:, None] * MAX_SIZE
    nb = jax.lax.stop_gradient(bxy + off)
    iou = _box_iou(nb, nb)
    keep0 = jax.lax.stop_gradient(sc) > SCORE_THRESH

    def body(i, keep):
        sup = (iou[i] > NMS_THRESH) & (jnp.arange(K_PRE) > i) & keep[i]
        return keep & (~sup)

    keep = jax.lax.fori_loop(0, K_PRE, body, keep0)
    ks = jnp.where(keep, sc, -1.0)
    fs, fi = jax.lax.top_k(ks, DETECTIONS)
    fb = bxy[fi] / scale_i
    fl = lab[fi].astype(jnp.float32)
    m = (jax.lax.stop_gradient(fs) > SCORE_THRESH).astype(jnp.float32)
    return jnp.concatenate([fb * m[:, None], (fs * m)[:, None], (fl * m)[:, None]], axis=1)


def reference(pred0, pred1, pred2, scale_factors):
    preds = (pred0, pred1, pred2)
    all_boxes, all_logits = [], []
    for p, s, a in zip(preds, STRIDES, ANCHORS):
        b, l = _decode(p, s, jnp.asarray(a))
        all_boxes.append(b)
        all_logits.append(l)
    boxes = jnp.concatenate(all_boxes, axis=1)
    logits = jnp.concatenate(all_logits, axis=1)
    return jax.vmap(_per_image)(boxes, logits, scale_factors)

if __name__ == "__main__":
    import jax
    _d = setup_inputs()
    print(jax.jit(kernel)(*tuple(_d.values())))

</pallas_src>

<mosaic_0001>
module attributes {stable_mosaic.version = 14 : i64} {
  func.func @_identity_kernel(%arg0: memref<8x300x6xf32, #tpu.memory_space<vmem>>, %arg1: memref<8x300x6xf32, #tpu.memory_space<vmem>>) attributes {dimension_semantics = [], scalar_prefetch = 0 : i64, scratch_operands = 0 : i64, tpu.core_type = #tpu.core_type<tc>} {
    %get3A = arith.constant 0 : index
    %get3A_0 = arith.constant 0 : index
    %get3A_1 = arith.constant 0 : index
    %get3A_2 = vector.load %arg0[%get3A, %get3A_0, %get3A_1] : memref<8x300x6xf32, #tpu.memory_space<vmem>>, vector<8x300x6xf32>
    %swap3A = arith.constant 0 : index
    %swap3A_3 = arith.constant 0 : index
    %swap3A_4 = arith.constant 0 : index
    %swap3A_5 = vector.load %arg1[%swap3A, %swap3A_3, %swap3A_4] : memref<8x300x6xf32, #tpu.memory_space<vmem>>, vector<8x300x6xf32>
    tpu.vector_store %arg1[%swap3A, %swap3A_3, %swap3A_4], %get3A_2 {strides = array<i32>} : memref<8x300x6xf32, #tpu.memory_space<vmem>>, vector<8x300x6xf32>,
    return
  }
}

</mosaic_0001>

<sc_bundles>
// kernel: gather_offload_async_start.1
scs
__scs_entry_jumppad:
0x0: {  	(pc) =	sbr.rel $0x88, $3  }
0x1: {  	(tag) =	ssettag $0x0;
	lr =	simm.s32 $0x1  }
0x2: {  	[smem:$0x3F9D] =	sst lr;
	_ =	strace $0xD0000000  }
0x3: {  	_ = 	snop  }
0x4: {  	_ = 	snop  }
0x5: {  	_ = 	snop  }
0x6: {  	_ = 	snop  }
0x7: {  	_ = 	snop  }
__scs_overlays_trampoline_lowered:
0x8: {  	[smem:$0x3FAC] =	sst s0  }
0x9: {  	[smem:$0x3FAD] =	sst s1  }
0xa: {  	[smem:$0x3FAE] =	sst s2  }
0xb: {  	[smem:$0x3FAF] =	sst s3  }
0xc: {  	[smem:$0x3FB0] =	sst s4  }
0xd: {  	[smem:$0x3FB1] =	sst s5  }
0xe: {  	[smem:$0x3FB2] =	sst s6  }
0xf: {  	[smem:$0x3FB3] =	sst s7  }
0x10: {  	[smem:$0x3FB4] =	sst s8  }
0x11: {  	[smem:$0x3FB5] =	sst s9;
	s0 =	simm.s32 @!p0 $0x0  }
0x12: {  	s1 =	sld [smem:$0x3F9B];
	s0 =	simm.s32 @p0 $0x1  }
0x13: {  	[smem:$0x3FB6] =	sst s0;
	s0 =	simm.s32 @!p1 $0x0  }
0x14: {  	s2 =	sld [smem:$0x3F9A];
	s0 =	simm.s32 @p1 $0x1  }
0x15: {  	[smem:$0x3FB7] =	sst s0;
	s0 =	simm.s32 @!p2 $0x0  }
0x16: {  	s3 =	sld [smem:$0x3FDB];
	s0 =	simm.s32 @p2 $0x1  }
0x17: {  	s4 =	simm.s32 $0x1BF5;
	[smem:$0x3FB9] =	sst s0  }
0x18: {  	s0 =	sld [smem:$0x3F9C];
	_ =	swait.ge [sflag:s4], $0x0  }
0x19: {  	s7 =	sld [smem:$0x3F9D]  }
0x1a: {  	s8 =	sadd.s32 $0xFFFFE003, lr  }
0x1b: {  	s9 =	sadd.s32 $0xFFFFFEF7, lr;
	s5 =	simm.s32 $0xFFFFFFFF;
	p2 =	slt.u32 s8, $0xFFFFF086  }
0x1c: {  	p1 =	slt.u32 s9, $0xF7A;
	s5 =	simm.s32 @!p2 $0x0  }
0x1d: {  	s5 =	simm.s32 @p1 $0x1;
	p0 =	seq.s32 s7, s2  }
0x1e: {  	s7 =	smul.u32 @!p0 $0xF7A, s2;
	p2 =	seq.s32 @!p0 s5, $0x0  }
0x1f: {  	s9 =	smul.u32 $0xF7A, s1;
	s8 =	simm.s32 @!p0 $0x1BF5;
	p2 =	por !p2, p0  }
0x20: {  	[sflag:s8] =	ssyncset.s32 @!p0 $0xFFFFF086;
	s6 =	sadd.s32 @!p0 s3, s7;
	s7 =	simm.s32 @!p0 $0x108  }
0x21: {  	s3 =	sadd.s32 s3, s9;
	s6 =	sadd.s32 @!p0 $0x88, s6;
	s7 =	simm.s32 @p2 $0x1082  }
0x22: {  	[simem:s7], [sflag:s8] =	dma.local @!p0 [hbm:s6], $0xF7A  }
0x23: {  	s9 =	sor.u32 $0xD0000000, s2;
	s6 =	simm.s32 $0x108;
	_ =	swait.ge @!p0 [sflag:s8], $0x0  }
0x24: {  	s3 =	sadd.s32 $0x88, s3;
	s6 =	simm.s32 @!p1 $0x1082;
	[sflag:s4] =	ssyncset.s32 $0xFFFFF086  }
0x25: {  	[simem:s6], [sflag:s4] =	dma.local [hbm:s3], $0xF7A  }
0x26: {  	[smem:$0x3F9D] =	sst s1;
	(tag) =	ssettag s2;
	_ =	strace s9  }
0x27: {  	s1 =	sld [smem:$0x3FAD]  }
0x28: {  	s2 =	sld [smem:$0x3FAE]  }
0x29: {  	s4 =	sld [smem:$0x3FB0]  }
0x2a: {  	p0 =	seq.s32 s5, $0x0;
	s5 =	sld [smem:$0x3FB1]  }
0x2b: {  	s6 =	sld [smem:$0x3FB2]  }
0x2c: {  	s7 =	sld [smem:$0x3FB3]  }
0x2d: {  	s3 =	simm.s32 $0x108;
	s8 =	sld [smem:$0x3FB4]  }
0x2e: {  	s3 =	simm.s32 @!p0 $0x1082;
	s9 =	sld [smem:$0x3FB5]  }
0x2f: {  	lr =	sadd.s32 s0, s3;
	s0 =	sld [smem:$0x3FAC]  }
0x30: {  	s3 =	sld [smem:$0x3FAF]  }
0x31: {  	[smem:$0x3FB8] =	sst s10  }
0x32: {  	s10 =	sld [smem:$0x3FB6];
	_ =	sdelay $0x3  }
0x33: {  	p0 =	seq.s32 s10, $0x1;
	s10 =	sld [smem:$0x3FB8];
	_ =	sdelay $0x3  }
0x34: {  	[smem:$0x3FB8] =	sst s10  }
0x35: {  	s10 =	sld [smem:$0x3FB7];
	_ =	sdelay $0x3  }
0x36: {  	p1 =	seq.s32 s10, $0x1;
	s10 =	sld [smem:$0x3FB8];
	_ =	sdelay $0x3  }
0x37: {  	[smem:$0x3FB8] =	sst s10  }
0x38: {  	s10 =	sld [smem:$0x3FB9]  }
0x39: {  	_ = 	snop;
	(pc) =	sbr.ind lr, $3  }
0x3a: {  	_ = 	snop  }
0x3b: {  	_ = 	snop  }
0x3c: {  	p2 =	seq.s32 s10, $0x1;
	s10 =	sld [smem:$0x3FB8]  }
0x3d: {  	_ =	shalt  }
0x3e: {  	_ =	shalt  }
0x3f: {  	_ =	shalt  }
0x40: {  	_ =	shalt  }
0x41: {  	_ =	shalt  }
0x42: {  	_ =	shalt  }
0x43: {  	_ =	shalt  }
0x44: {  	_ =	shalt  }
0x45: {  	_ =	shalt  }
0x46: {  	_ =	shalt  }
0x47: {  	_ =	shalt  }
0x48: {  	_ =	shalt  }
0x49: {  	_ =	shalt  }
0x4a: {  	_ =	shalt  }
0x4b: {  	_ =	shalt  }
0x4c: {  	_ =	shalt  }
0x4d: {  	_ =	shalt  }
0x4e: {  	_ =	shalt  }
0x4f: {  	_ =	shalt  }
0x50: {  	_ =	shalt  }
0x51: {  	_ =	shalt  }
0x52: {  	_ =	shalt  }
0x53: {  	_ =	shalt  }
0x54: {  	_ =	shalt  }
0x55: {  	_ =	shalt  }
0x56: {  	_ =	shalt  }
0x57: {  	_ =	shalt  }
0x58: {  	_ =	shalt  }
0x59: {  	_ =	shalt  }
0x5a: {  	_ =	shalt  }
0x5b: {  	_ =	shalt  }
0x5c: {  	_ =	shalt  }
0x5d: {  	_ =	shalt  }
0x5e: {  	_ =	shalt  }
0x5f: {  	_ =	shalt  }
0x60: {  	_ =	shalt  }
0x61: {  	_ =	shalt  }
0x62: {  	_ =	shalt  }
0x63: {  	_ =	shalt  }
0x64: {  	_ =	shalt  }
0x65: {  	_ =	shalt  }
0x66: {  	_ =	shalt  }
0x67: {  	_ =	shalt  }
0x68: {  	_ =	shalt  }
0x69: {  	_ =	shalt  }
0x6a: {  	_ =	shalt  }
0x6b: {  	_ =	shalt  }
0x6c: {  	_ =	shalt  }
0x6d: {  	_ =	shalt  }
0x6e: {  	_ =	shalt  }
0x6f: {  	_ =	shalt  }
0x70: {  	_ =	shalt  }
0x71: {  	_ =	shalt  }
0x72: {  	_ =	shalt  }
0x73: {  	_ =	shalt  }
0x74: {  	_ =	shalt  }
0x75: {  	_ =	shalt  }
0x76: {  	_ =	shalt  }
0x77: {  	_ =	shalt  }
0x78: {  	_ =	shalt  }
0x79: {  	_ =	shalt  }
0x7a: {  	_ =	shalt  }
0x7b: {  	_ =	shalt  }
0x7c: {  	_ =	shalt  }
0x7d: {  	_ =	shalt  }
0x7e: {  	_ =	shalt  }
0x7f: {  	_ =	shalt  }
0x80: {  	_ =	shalt  }
0x81: {  	_ =	shalt  }
0x82: {  	_ =	shalt  }
0x83: {  	_ =	shalt  }
0x84: {  	_ =	shalt  }
0x85: {  	_ =	shalt  }
0x86: {  	_ =	shalt  }
0x87: {  	_ =	shalt  }
.Lfunc_end0:
.L_simem_size_0:
called_computation.4_lowered:
.L_overlay_start_0:
0x88: {  	s2 =	sld [smem:$0x3FD9]  }
0x89: {  	s3 =	sld [smem:$0x3FFE];
	_ =	sdelay $0x1  }
0x8a: {  	s1 =	srdreg.scid  }
0x8b: {  	s0 =	sand.u32 $0x1, s1  }
0x8c: {  	s17 =	sshll.u32 s0, $0xA;
	s2 =	sadd.s32 s3, s2  }
0x8d: {  	s2 =	sadd.s32 s2, s17  }
0x8e: {  	[smem:$0x3FC4] =	sst s2  }
0x8f: {  	_ = 	snop  }
0x90: {  	s2 =	sld [smem:$0x3FD0];
	(tm) =	ssettm $0x1  }
0x91: {  	s18 =	sld [smem:$0x3FFB];
	_ =	sdelay $0x3  }
0x92: {  	_ =	strace s18  }
0x93: {  	s3 =	sld [smem:$0x3FFC];
	_ =	sdelay $0x3  }
0x94: {  	_ =	strace s3  }
0x95: {  	s3 =	sld [smem:$0x3FFD];
	_ =	sdelay $0x3  }
0x96: {  	_ =	strace s3  }
0x97: {  	_ =	strace $0x8FFFFFFF  }
0x98: {  	s19 =	sld [smem:$0x3FDB];
	_ =	sdelay $0x1  }
0x99: {  	s4 =	simm.s32 $_scs_section_size  }
0x9a: {  	s5 =	simm.s32 $_size__tile_overlayer_lowered;
	s6 =	simm.s32 $_tile_overlayer_lowered  }
0x9b: {  	s22 =	simm.s32 $0x1BFF;
	s21 =	sshll.u32 s6, $0x1;
	s3 =	sadd.s32 s4, s19  }
0x9c: {  	s7 =	simm.s32 $0x0;
	s20 =	sshll.u32 s5, $0x1;
	s5 =	sadd.s32 s21, s3  }
0x9d: {  	[timem:s7], [sflag:s22] =	dma.local [hbm:s5], s20  }
0x9e: {  	_ =	swait.ge [sflag:s22], s20  }
0x9f: {  	s4 =	ssub.s32 $0x0, s20;
	[sflag:s22] =	ssyncset.done $0x0  }
0xa0: {  	[sflag:s22] =	ssyncadd.s32 s4;
	_ =	sdelay $0x1  }
0xa1: {  	s23 =	simm.s32 $0x1B8B  }
0xa2: {  	_ =	swait.ge [sflag:s23], $0x1  }
0xa3: {  	[sflag:s23] =	ssyncset.done $0x0  }
0xa4: {  	s25 =	simm.s32 $0x1B8E;
	s24 =	sld [smem:$0x3FFE];
	[sflag:s23] =	ssyncadd.s32 $0xFFFFFFFF  }
0xa5: {  	s26 =	simm.s32 $execute0_lowered;
	[smem:$0x3FD2] =	sst s25  }
0xa6: {  	s5 =	sshll.u32 s26, $0x1;
	_ =	strace $0x80000055;
	[dreg:$0x1] =	wrdreg $0xFFFFFFFF  }
0xa7: {  	s28 =	simm.s32 $_size_execute0_lowered;
	s3 =	sadd.s32 s3, s5;
	[dreg:$0x0] =	wrdreg $0x0  }
0xa8: {  	s5 =	sshll.u32 s28, $0x1;
	[dreg:$0x2] =	wrdreg s3  }
0xa9: {  	[dreg:$0x3] =	wrdreg s5  }
0xaa: {  	[dreg:$0x4] =	wrdreg $0xC0  }
0xab: {  	_ =	task [dreg:s7], $0x5FFFF  }
0xac: {  	[dreg:$0x1] =	wrdreg $0xFFFFFFFF  }
0xad: {  	[dreg:$0x0] =	wrdreg $0x60  }
0xae: {  	[dreg:$0x2] =	wrdreg s24  }
0xaf: {  	[dreg:$0x3] =	wrdreg s2  }
0xb0: {  	[dreg:$0x4] =	wrdreg $0x9  }
0xb1: {  	_ =	task.clear_ibuf [dreg:s7], $0x5FFFF;
	_ =	strace $0x90000055  }
0xb2: {  	s29 =	simm.s32 $0x9;
	_ =	strace $0x80000057  }
0xb3: {  	_ =	swait.ge [sflag:s29], $0x1  }
0xb4: {  	[sflag:s29] =	ssyncadd.s32 $0xFFFFFFFF  }
0xb5: {  	_ =	strace $0x90000057  }
0xb6: {  	_ =	sfence  }
0xb7: {  	s30 =	sld [smem:$0x0];
	_ =	sdelay $0x2  }
0xb8: {  	s31 =	sshll.u32 s1, $0xD;
	s1 =	sshrl.u32 s1, $0x2  }
0xb9: {  	s3 =	sand.u32 $0x4000, s31;
	s1 =	sadd.s32 s1, s30  }
0xba: {  	s0 =	sor.u32 s3, s0;
	s1 =	sshll.u32 s1, $0x11  }
0xbb: {  	s0 =	sor.u32 s1, s0  }
0xbc: {  	s0 =	sadd.s32 $0x8F2B, s0  }
0xbd: {  	[sflag:s0] =	ssyncadd.remote.s32 $0x1  }
0xbe: {  	_ =	sfence.sel $0xFFFF  }
0xbf: {  	[dreg:$0x0] =	wrdreg $0xFFFFFFFF;
	(pc) =	sbr.abs _section_cstart, $3  }
0xc0: {  	[dreg:$0x1] =	wrdreg $0xFFFFFFFF  }
0xc1: {  	_ =	task.clear_ibuf [dreg:s7], $0x2FFFF;
	_ =	strace $0x9FFFFFFF  }
0xc2: {  	(tm) =	ssettm $0x7FFFFFFF  }
0xc3: {  	_ =	shalt  }
tec
execute0_lowered:
.L_overlay_start_1:
0x0: {  	(tag) =	ssettag $0x1  }
0x1: {  	s0 =	srdreg.scid  }
0x2: {  	s1 =	sshll.u32 s0, $0x4  }
0x3: {  	s0 =	stileid.u32;
	s1 =	sand.u32 $0x10, s1  }
0x4: {  	s2 =	sor.u32 s0, s1  }
0x5: {  	s1 =	smin.u32 s2, $0x1C  }
0x6: {  	s1 =	sadd.s32 s2, s1  }
0x7: {  	p0 =	slt.u32 s2, $0x1C;
	s2 =	simm.s32 $0x50;
	s1 =	smul.u32 $0x28, s1  }
0x8: {  	s2 =	simm.s32 @!p0 $0x28  }
0x9: {  	s2 =	sadd.s32 s2, s1  }
0xa: {  	s3 =	smin.u32 s2, $0x960  }
0xb: {  	s7 =	ssub.s32 s3, s1  }
0xc: {  	p0 =	sgt.s32 s7, $0x0  }
0xd: {  	s7 =	simm.s32 @!p0 $0x0  }
0xe: {  	s4 =	rddreg [dreg:$0x0];
	s31 =	smul.u32 $0xCCCD, s7  }
0xf: {  	s5 =	rddreg [dreg:$0x1]  }
0x10: {  	s6 =	simm.s32 $0x1;
	s10 =	simm.s32 $0x3;
	s8 =	sshrl.u32 s31, $0x15  }
0x11: {  	s13 =	simm.s32 $0x0;
	s12 =	simm.s32 $0x0;
	s9 =	smul.u32 $0x28, s8  }
.Ltmp0:
0x12: {  	s11 =	smov.u32 s1;
	s2 =	rddreg [dreg:$0x2];
	(pc) =	sbr.rel .LBB2_1-.Ltmp0, $4  }
0x13: {  	_ =	strace $0x80000056;
	p0 =	sne.s32 s7, s9;
	s9 =	simm.s32 $0x1  }
0x14: {  	[sflag:s6] =	ssyncpa.u1 $0x0;
	s7 =	simm.s32 $0x2;
	s9 =	simm.s32 @!p0 $0x0  }
0x15: {  	[sflag:s7] =	ssyncpa.u1 $0x0;
	p0 =	por $0x0, $0x0;
	s8 =	sadd.s32 s8, s9  }
0x16: {  	vm0 =	vmmov $0xff;
	vm1 =	vcmask $0x3F20;
	s9 =	sadd.s32 $0x1F400, s4;
	[sflag:s10] =	ssyncpa.u1 $0x0;
	s10 =	sadd.s32 $0x1, s8  }
.LBB2_6:
0x17: {  	[hbm:s17] =	stream.linear.scatter [tilespmem:s14], [sflag:$0x3], $0x400, $0x38;
	[tilespmem:$0x2850] =	vst v63  }
.LBB2_7:
0x18: {  	s13 =	sadd.s32 $0x28, s11  }
0x19: {  	s15 =	smov.u32 s1;
	p2 =	slt.s32 s13, s3  }
0x1a: {  	s15 =	smov.u32 @p2 s13;
	p2 =	sne.s32 s12, s10  }
.Ltmp1:
0x1b: {  	p1 =	slt.u32 s12, $0x2;
	(pc) =	sbr.rel @!p2 .LBB2_8-.Ltmp1, $4  }
0x1c: {  	s14 =	simm.s32 @!p1 $0x3  }
0x1d: {  	s16 =	sadd.s32 $0x1, s12;
	_ =	swait.ge @!p1 [sflag:s14], $0x1400  }
0x1e: {  	p0 =	por !p0, !p0;
	s13 =	smov.u32 s11;
	[sflag:s14] =	ssyncset.done @!p1 $0x0  }
0x1f: {  	s12 =	smov.u32 s16;
	s11 =	smov.u32 s15;
	[sflag:s14] =	ssyncadd.s32 @!p1 $0xFFFFEC00  }
.LBB2_1:
0x20: {  	p1 =	sge.u32 s12, s8  }
0x21: {  	s14 =	sxor.u32 @!p1 $0xFFFFFFFF, s12  }
0x22: {  	s14 =	sand.u32 @!p1 $0x1, s14  }
0x23: {  	s14 =	smul.u32 @!p1 $0xA0, s14  }
0x24: {  	s31 =	sadd.s32 $0xFFFFFFFF, s12;
	s15 =	sshrl.u32 @!p1 s11, $0x3  }
0x25: {  	s16 =	sand.u32 @!p1 $0x7, s11;
	s15 =	sadd.s32 @!p1 s5, s15;
	s14 =	sshrl.u32 @!p1 s14, $0x2  }
0x26: {  	[tilespmem:s14], [sflag:$0x2] =	stream.linear.gather @!p1 [hbm4b:s15+s16], $0x28, $0x38;
	[tilespmem:$0x2850] =	vst v63  }
0x27: {  	p1 =	sge.u32 s31, s8  }
.Ltmp2:
0x28: {  	_ = 	snop;
	(pc) =	sbr.rel @p1 .LBB2_7-.Ltmp2, $1  }
0x29: {  	_ =	sdelay $0x3  }
0x2a: {  	s15 =	sand.u32 $0x1, s12  }
0x2b: {  	s14 =	simm.s32 $0x1;
	s16 =	smul.u32 $0xA0, s15  }
0x2c: {  	s14 =	simm.s32 @!p0 $0x0;
	s15 =	smul.u32 $0x5000, s15  }
0x2d: {  	_ =	swait.ge [sflag:s7], $0x28;
	s14 =	smul.u32 $0x5000, s14  }
0x2e: {  	s18 =	simm.s32 $0x0;
	p1 =	por $0x1, $0x1;
	[sflag:s7] =	ssyncset.done $0x0  }
0x2f: {  	[sflag:s7] =	ssyncadd.s32 $0xFFFFFFD8;
	s15 =	sshrl.u32 s15, $0x2;
	s14 =	sshrl.u32 s14, $0x2  }
0x30: {  	s16 =	sshrl.u32 s16, $0x2;
	s17 =	sor.u32 $0x50, s15;
	s14 =	sor.u32 $0x50, s14  }
.LBB2_3:
0x31: {  	s19 =	sshll.u32 s18, $0x4  }
0x32: {  	s19 =	sand.u32 $0x3FFFFFF0, s19  }
0x33: {  	s19 =	sadd.s32 s19, s16  }
0x34: {  	v0 =	vld.msk [tilespmem:s19+$0x0 ss:$0x1], $0xffff;
	_ =	sdelay $0x4  }
0x35: {  	v1 =	vand.u32 $0x7, v0;
	v2 =	vshll.u32 v0, $0x4  }
0x36: {  	vm2 =	veq.s32 v0, $0x80000000;
	v61 =	vmul.u32 $0x1F400, v1;
	v62 =	vand.u32 $0x1FF80, v2  }
0x37: {  	v1 =	vsel vm2, $0xFFFFFF80, v62  }
0x38: {  	v0 =	vsel vm2, $0xFFFE0C00, v61;
	v63 =	vand.u32 $0xFFFFFC00, v1  }
0x39: {  	v1 =	vand.u32 $0x380, v1;
	v0 =	vadd.s32 v0, v63  }
0x3a: {  	v0 =	vor.u32 v1, v0  }
0x3b: {  	v0 =	vshrl.u32 v0, $0x3;
	_ =	sdelay $0x1  }
0x3c: {  	s31 =	sshll.u32 s18, $0xB  }
0x3d: {  	p2 =	por p1, p1;
	s18 =	sand.u32 $0x3FFFF800, s31  }
.Ltmp3:
0x3e: {  	s18 =	sadd.s32 s18, s17;
	(pc) =	sbr.rel @p2 .LBB2_3-.Ltmp3, $4  }
0x3f: {  	[tilespmem:s18], [sflag:$0x1] =	stream.indirect_vreg.gather [hbm:s4], $0x80, v0, vm0, $0x38;
	[tilespmem:$0x2850] =	vst v63  }
0x40: {  	s18 =	sadd.s32 $0x400, s18  }
0x41: {  	[tilespmem:s18], [sflag:$0x1] =	stream.indirect_vreg.gather [hbm:s4], $0x80, v0, vm1, $0x38;
	[tilespmem:$0x2850] =	vst v63  }
0x42: {  	p1 =	por $0x0, $0x0;
	s18 =	simm.s32 $0x1  }
0x43: {  	v0 =	vld.msk [tilespmem:s16+$0x20 ss:$0x1], $0xff;
	_ =	sdelay $0x4  }
0x44: {  	v1 =	vand.u32 $0x7, v0;
	v2 =	vshll.u32 v0, $0x4  }
0x45: {  	vm2 =	veq.s32 v0, $0x80000000;
	v61 =	vmul.u32 $0x1F400, v1;
	v62 =	vand.u32 $0x1FF80, v2  }
0x46: {  	v1 =	vsel vm2, $0xFFFFFF80, v62  }
0x47: {  	v0 =	vsel vm2, $0xFFFE0C00, v61;
	v63 =	vand.u32 $0xFFFFFC00, v1  }
0x48: {  	v1 =	vand.u32 $0x380, v1;
	v0 =	vadd.s32 v0, v63  }
0x49: {  	v0 =	vor.u32 v1, v0  }
0x4a: {  	v0 =	vshrl.u32 v0, $0x3;
	_ =	sdelay $0x3  }
0x4b: {  	s15 =	sadd.s32 $0x1050, s15  }
0x4c: {  	[tilespmem:s15], [sflag:$0x1] =	stream.indirect_vreg.gather [hbm:s4], $0x80, v0, vm0, $0x38;
	[tilespmem:$0x2850] =	vst v63  }
0x4d: {  	s13 =	sshll.u32 s13, $0x4;
	_ =	swait.ge [sflag:s6], $0x1400  }
0x4e: {  	s16 =	sadd.s32 $0x400, s14;
	s13 =	sadd.s32 s13, s9;
	[sflag:s6] =	ssyncset.done $0x0  }
0x4f: {  	s17 =	sadd.s32 $0x0, s13;
	s15 =	simm.s32 $0x80;
	[sflag:s6] =	ssyncadd.s32 $0xFFFFEC00  }
.LBB2_5:
0x50: {  	[hbm:s17] =	stream.linear.scatter [tilespmem:s14], [sflag:$0x3], $0x400, $0x38;
	[tilespmem:$0x2850] =	vst v63  }
0x51: {  	s17 =	smov.u32 s15;
	s14 =	smov.u32 s16;
	p1 =	sne.s32 s15, $0x200  }
.Ltmp4:
0x52: {  	s15 =	sadd.s32 $0x80, s15;
	(pc) =	sbr.rel @p1 .LBB2_5-.Ltmp4, $2  }
0x53: {  	_ =	sdelay $0x2  }
0x54: {  	s16 =	sadd.s32 $0x400, s16;
	s17 =	sadd.s32 s17, s13  }
.Ltmp5:
0x55: {  	_ = 	snop;
	(pc) =	sbr.rel .LBB2_6-.Ltmp5, $1  }
0x56: {  	_ =	sdelay $0x3  }
.LBB2_8:
0x57: {  	_ =	sfence.sel $0x180000  }
0x58: {  	s1 =	simm.s32 $0x2;
	[bflag:$0x0] =	sbarrier.arrive $0xFFFF  }
0x59: {  	s30 =	simm.s32 $0x3;
	[sflag:s1] =	ssyncpa.u1 $0x1  }
0x5a: {  	s31 =	simm.s32 $0x1;
	[sflag:s30] =	ssyncpa.u1 $0x1  }
0x5b: {  	[sflag:s31] =	ssyncpa.u1 $0x1  }
0x5c: {  	p0 =	sne.s32 s0, $0x0;
	_ =	strace $0x90000056  }
0x5d: {  	s0 =	sadd.s32 @!p0 $0x100000, s2;
	[bflag:$0x2] =	sbarrier.arrive $0xFFFF  }
0x5e: {  	[sflag:s0] =	ssyncadd.tile.s32 @!p0 $0x1;
	_ =	shalt  }
.Lfunc_end2:
_tile_overlayer_lowered:
.L_overlay_start_2:
0x5f: {  	(tag) =	ssettag $0x2  }
0x60: {  	s0 =	rddreg [dreg:$0x0];
	s2 =	stileid.u32  }
0x61: {  	s1 =	rddreg [dreg:$0x1];
	p0 =	sne.s32 s2, $0x0  }
0x62: {  	s3 =	rddreg [dreg:$0x2];
	[bflag:$0x3] =	sbarrier.arrive $0xFFFF;
	s2 =	simm.s32 @!p0 $0x1C01  }
0x63: {  	[timem:s3], [sflag:s2] =	dma.local @!p0 [hbm:s0], s1  }
0x64: {  	s0 =	simm.s32 @!p0 $0x1  }
0x65: {  	_ =	swait.ge @!p0 [sflag:s0], s1  }
0x66: {  	s1 =	ssub.s32 @!p0 $0x0, s1;
	[sflag:s0] =	ssyncset.done @!p0 $0x0  }
0x67: {  	[sflag:s0] =	ssyncadd.s32 @!p0 s1  }
0x68: {  	[bflag:$0x3] =	sbarrier.arrive $0xFFFF  }
0x69: {  	_ =	shalt  }

// kernel: gather_offload_async_start.2
scs
__scs_entry_jumppad:
0x0: {  	(pc) =	sbr.rel $0x88, $3  }
0x1: {  	(tag) =	ssettag $0x0;
	lr =	simm.s32 $0x1  }
0x2: {  	[smem:$0x3F9D] =	sst lr;
	_ =	strace $0xD0000000  }
0x3: {  	_ = 	snop  }
0x4: {  	_ = 	snop  }
0x5: {  	_ = 	snop  }
0x6: {  	_ = 	snop  }
0x7: {  	_ = 	snop  }
__scs_overlays_trampoline_lowered:
0x8: {  	[smem:$0x3FAC] =	sst s0  }
0x9: {  	[smem:$0x3FAD] =	sst s1  }
0xa: {  	[smem:$0x3FAE] =	sst s2  }
0xb: {  	[smem:$0x3FAF] =	sst s3  }
0xc: {  	[smem:$0x3FB0] =	sst s4  }
0xd: {  	[smem:$0x3FB1] =	sst s5  }
0xe: {  	[smem:$0x3FB2] =	sst s6  }
0xf: {  	[smem:$0x3FB3] =	sst s7  }
0x10: {  	[smem:$0x3FB4] =	sst s8  }
0x11: {  	[smem:$0x3FB5] =	sst s9;
	s0 =	simm.s32 @!p0 $0x0  }
0x12: {  	s1 =	sld [smem:$0x3F9B];
	s0 =	simm.s32 @p0 $0x1  }
0x13: {  	[smem:$0x3FB6] =	sst s0;
	s0 =	simm.s32 @!p1 $0x0  }
0x14: {  	s2 =	sld [smem:$0x3F9A];
	s0 =	simm.s32 @p1 $0x1  }
0x15: {  	[smem:$0x3FB7] =	sst s0;
	s0 =	simm.s32 @!p2 $0x0  }
0x16: {  	s3 =	sld [smem:$0x3FDB];
	s0 =	simm.s32 @p2 $0x1  }
0x17: {  	s4 =	simm.s32 $0x1BF5;
	[smem:$0x3FB9] =	sst s0  }
0x18: {  	s0 =	sld [smem:$0x3F9C];
	_ =	swait.ge [sflag:s4], $0x0  }
0x19: {  	s7 =	sld [smem:$0x3F9D]  }
0x1a: {  	s8 =	sadd.s32 $0xFFFFE003, lr  }
0x1b: {  	s9 =	sadd.s32 $0xFFFFFEF7, lr;
	s5 =	simm.s32 $0xFFFFFFFF;
	p2 =	slt.u32 s8, $0xFFFFF086  }
0x1c: {  	p1 =	slt.u32 s9, $0xF7A;
	s5 =	simm.s32 @!p2 $0x0  }
0x1d: {  	s5 =	simm.s32 @p1 $0x1;
	p0 =	seq.s32 s7, s2  }
0x1e: {  	s7 =	smul.u32 @!p0 $0xF7A, s2;
	p2 =	seq.s32 @!p0 s5, $0x0  }
0x1f: {  	s9 =	smul.u32 $0xF7A, s1;
	s8 =	simm.s32 @!p0 $0x1BF5;
	p2 =	por !p2, p0  }
0x20: {  	[sflag:s8] =	ssyncset.s32 @!p0 $0xFFFFF086;
	s6 =	sadd.s32 @!p0 s3, s7;
	s7 =	simm.s32 @!p0 $0x108  }
0x21: {  	s3 =	sadd.s32 s3, s9;
	s6 =	sadd.s32 @!p0 $0x88, s6;
	s7 =	simm.s32 @p2 $0x1082  }
0x22: {  	[simem:s7], [sflag:s8] =	dma.local @!p0 [hbm:s6], $0xF7A  }
0x23: {  	s9 =	sor.u32 $0xD0000000, s2;
	s6 =	simm.s32 $0x108;
	_ =	swait.ge @!p0 [sflag:s8], $0x0  }
0x24: {  	s3 =	sadd.s32 $0x88, s3;
	s6 =	simm.s32 @!p1 $0x1082;
	[sflag:s4] =	ssyncset.s32 $0xFFFFF086  }
0x25: {  	[simem:s6], [sflag:s4] =	dma.local [hbm:s3], $0xF7A  }
0x26: {  	[smem:$0x3F9D] =	sst s1;
	(tag) =	ssettag s2;
	_ =	strace s9  }
0x27: {  	s1 =	sld [smem:$0x3FAD]  }
0x28: {  	s2 =	sld [smem:$0x3FAE]  }
0x29: {  	s4 =	sld [smem:$0x3FB0]  }
0x2a: {  	p0 =	seq.s32 s5, $0x0;
	s5 =	sld [smem:$0x3FB1]  }
0x2b: {  	s6 =	sld [smem:$0x3FB2]  }
0x2c: {  	s7 =	sld [smem:$0x3FB3]  }
0x2d: {  	s3 =	simm.s32 $0x108;
	s8 =	sld [smem:$0x3FB4]  }
0x2e: {  	s3 =	simm.s32 @!p0 $0x1082;
	s9 =	sld [smem:$0x3FB5]  }
0x2f: {  	lr =	sadd.s32 s0, s3;
	s0 =	sld [smem:$0x3FAC]  }
0x30: {  	s3 =	sld [smem:$0x3FAF]  }
0x31: {  	[smem:$0x3FB8] =	sst s10  }
0x32: {  	s10 =	sld [smem:$0x3FB6];
	_ =	sdelay $0x3  }
0x33: {  	p0 =	seq.s32 s10, $0x1;
	s10 =	sld [smem:$0x3FB8];
	_ =	sdelay $0x3  }
0x34: {  	[smem:$0x3FB8] =	sst s10  }
0x35: {  	s10 =	sld [smem:$0x3FB7];
	_ =	sdelay $0x3  }
0x36: {  	p1 =	seq.s32 s10, $0x1;
	s10 =	sld [smem:$0x3FB8];
	_ =	sdelay $0x3  }
0x37: {  	[smem:$0x3FB8] =	sst s10  }
0x38: {  	s10 =	sld [smem:$0x3FB9]  }
0x39: {  	_ = 	snop;
	(pc) =	sbr.ind lr, $3  }
0x3a: {  	_ = 	snop  }
0x3b: {  	_ = 	snop  }
0x3c: {  	p2 =	seq.s32 s10, $0x1;
	s10 =	sld [smem:$0x3FB8]  }
0x3d: {  	_ =	shalt  }
0x3e: {  	_ =	shalt  }
0x3f: {  	_ =	shalt  }
0x40: {  	_ =	shalt  }
0x41: {  	_ =	shalt  }
0x42: {  	_ =	shalt  }
0x43: {  	_ =	shalt  }
0x44: {  	_ =	shalt  }
0x45: {  	_ =	shalt  }
0x46: {  	_ =	shalt  }
0x47: {  	_ =	shalt  }
0x48: {  	_ =	shalt  }
0x49: {  	_ =	shalt  }
0x4a: {  	_ =	shalt  }
0x4b: {  	_ =	shalt  }
0x4c: {  	_ =	shalt  }
0x4d: {  	_ =	shalt  }
0x4e: {  	_ =	shalt  }
0x4f: {  	_ =	shalt  }
0x50: {  	_ =	shalt  }
0x51: {  	_ =	shalt  }
0x52: {  	_ =	shalt  }
0x53: {  	_ =	shalt  }
0x54: {  	_ =	shalt  }
0x55: {  	_ =	shalt  }
0x56: {  	_ =	shalt  }
0x57: {  	_ =	shalt  }
0x58: {  	_ =	shalt  }
0x59: {  	_ =	shalt  }
0x5a: {  	_ =	shalt  }
0x5b: {  	_ =	shalt  }
0x5c: {  	_ =	shalt  }
0x5d: {  	_ =	shalt  }
0x5e: {  	_ =	shalt  }
0x5f: {  	_ =	shalt  }
0x60: {  	_ =	shalt  }
0x61: {  	_ =	shalt  }
0x62: {  	_ =	shalt  }
0x63: {  	_ =	shalt  }
0x64: {  	_ =	shalt  }
0x65: {  	_ =	shalt  }
0x66: {  	_ =	shalt  }
0x67: {  	_ =	shalt  }
0x68: {  	_ =	shalt  }
0x69: {  	_ =	shalt  }
0x6a: {  	_ =	shalt  }
0x6b: {  	_ =	shalt  }
0x6c: {  	_ =	shalt  }
0x6d: {  	_ =	shalt  }
0x6e: {  	_ =	shalt  }
0x6f: {  	_ =	shalt  }
0x70: {  	_ =	shalt  }
0x71: {  	_ =	shalt  }
0x72: {  	_ =	shalt  }
0x73: {  	_ =	shalt  }
0x74: {  	_ =	shalt  }
0x75: {  	_ =	shalt  }
0x76: {  	_ =	shalt  }
0x77: {  	_ =	shalt  }
0x78: {  	_ =	shalt  }
0x79: {  	_ =	shalt  }
0x7a: {  	_ =	shalt  }
0x7b: {  	_ =	shalt  }
0x7c: {  	_ =	shalt  }
0x7d: {  	_ =	shalt  }
0x7e: {  	_ =	shalt  }
0x7f: {  	_ =	shalt  }
0x80: {  	_ =	shalt  }
0x81: {  	_ =	shalt  }
0x82: {  	_ =	shalt  }
0x83: {  	_ =	shalt  }
0x84: {  	_ =	shalt  }
0x85: {  	_ =	shalt  }
0x86: {  	_ =	shalt  }
0x87: {  	_ =	shalt  }
.Lfunc_end0:
.L_simem_size_0:
called_computation.5_lowered:
.L_overlay_start_0:
0x88: {  	s2 =	sld [smem:$0x3FD9]  }
0x89: {  	s3 =	sld [smem:$0x3FFE];
	_ =	sdelay $0x1  }
0x8a: {  	s1 =	srdreg.scid  }
0x8b: {  	s0 =	sand.u32 $0x1, s1  }
0x8c: {  	s17 =	sshll.u32 s0, $0xA;
	s2 =	sadd.s32 s3, s2  }
0x8d: {  	s2 =	sadd.s32 s2, s17  }
0x8e: {  	[smem:$0x3FC4] =	sst s2  }
0x8f: {  	_ = 	snop  }
0x90: {  	s2 =	sld [smem:$0x3FD0];
	(tm) =	ssettm $0x1  }
0x91: {  	s18 =	sld [smem:$0x3FFB];
	_ =	sdelay $0x3  }
0x92: {  	_ =	strace s18  }
0x93: {  	s3 =	sld [smem:$0x3FFC];
	_ =	sdelay $0x3  }
0x94: {  	_ =	strace s3  }
0x95: {  	s3 =	sld [smem:$0x3FFD];
	_ =	sdelay $0x3  }
0x96: {  	_ =	strace s3  }
0x97: {  	_ =	strace $0x8FFFFFFF  }
0x98: {  	s19 =	sld [smem:$0x3FDB];
	_ =	sdelay $0x1  }
0x99: {  	s4 =	simm.s32 $_scs_section_size  }
0x9a: {  	s5 =	simm.s32 $_size__tile_overlayer_lowered;
	s6 =	simm.s32 $_tile_overlayer_lowered  }
0x9b: {  	s22 =	simm.s32 $0x1BFF;
	s21 =	sshll.u32 s6, $0x1;
	s3 =	sadd.s32 s4, s19  }
0x9c: {  	s7 =	simm.s32 $0x0;
	s20 =	sshll.u32 s5, $0x1;
	s5 =	sadd.s32 s21, s3  }
0x9d: {  	[timem:s7], [sflag:s22] =	dma.local [hbm:s5], s20  }
0x9e: {  	_ =	swait.ge [sflag:s22], s20  }
0x9f: {  	s4 =	ssub.s32 $0x0, s20;
	[sflag:s22] =	ssyncset.done $0x0  }
0xa0: {  	[sflag:s22] =	ssyncadd.s32 s4;
	_ =	sdelay $0x1  }
0xa1: {  	s23 =	simm.s32 $0x1B8B  }
0xa2: {  	_ =	swait.ge [sflag:s23], $0x1  }
0xa3: {  	[sflag:s23] =	ssyncset.done $0x0  }
0xa4: {  	s25 =	simm.s32 $0x1B8E;
	s24 =	sld [smem:$0x3FFE];
	[sflag:s23] =	ssyncadd.s32 $0xFFFFFFFF  }
0xa5: {  	s26 =	simm.s32 $execute0_lowered;
	[smem:$0x3FD2] =	sst s25  }
0xa6: {  	s5 =	sshll.u32 s26, $0x1;
	_ =	strace $0x80000052;
	[dreg:$0x1] =	wrdreg $0xFFFFFFFF  }
0xa7: {  	s28 =	simm.s32 $_size_execute0_lowered;
	s3 =	sadd.s32 s3, s5;
	[dreg:$0x0] =	wrdreg $0x0  }
0xa8: {  	s5 =	sshll.u32 s28, $0x1;
	[dreg:$0x2] =	wrdreg s3  }
0xa9: {  	[dreg:$0x3] =	wrdreg s5  }
0xaa: {  	[dreg:$0x4] =	wrdreg $0xC0  }
0xab: {  	_ =	task [dreg:s7], $0x5FFFF  }
0xac: {  	[dreg:$0x1] =	wrdreg $0xFFFFFFFF  }
0xad: {  	[dreg:$0x0] =	wrdreg $0x60  }
0xae: {  	[dreg:$0x2] =	wrdreg s24  }
0xaf: {  	[dreg:$0x3] =	wrdreg s2  }
0xb0: {  	[dreg:$0x4] =	wrdreg $0x9  }
0xb1: {  	_ =	task.clear_ibuf [dreg:s7], $0x5FFFF;
	_ =	strace $0x90000052  }
0xb2: {  	s29 =	simm.s32 $0x9;
	_ =	strace $0x80000054  }
0xb3: {  	_ =	swait.ge [sflag:s29], $0x1  }
0xb4: {  	[sflag:s29] =	ssyncadd.s32 $0xFFFFFFFF  }
0xb5: {  	_ =	strace $0x90000054  }
0xb6: {  	_ =	sfence  }
0xb7: {  	s30 =	sld [smem:$0x0];
	_ =	sdelay $0x2  }
0xb8: {  	s31 =	sshll.u32 s1, $0xD;
	s1 =	sshrl.u32 s1, $0x2  }
0xb9: {  	s3 =	sand.u32 $0x4000, s31;
	s1 =	sadd.s32 s1, s30  }
0xba: {  	s0 =	sor.u32 s3, s0;
	s1 =	sshll.u32 s1, $0x11  }
0xbb: {  	s0 =	sor.u32 s1, s0  }
0xbc: {  	s0 =	sadd.s32 $0x8F2B, s0  }
0xbd: {  	[sflag:s0] =	ssyncadd.remote.s32 $0x1  }
0xbe: {  	_ =	sfence.sel $0xFFFF  }
0xbf: {  	[dreg:$0x0] =	wrdreg $0xFFFFFFFF;
	(pc) =	sbr.abs _section_cstart, $3  }
0xc0: {  	[dreg:$0x1] =	wrdreg $0xFFFFFFFF  }
0xc1: {  	_ =	task.clear_ibuf [dreg:s7], $0x2FFFF;
	_ =	strace $0x9FFFFFFF  }
0xc2: {  	(tm) =	ssettm $0x7FFFFFFF  }
0xc3: {  	_ =	shalt  }
tec
execute0_lowered:
.L_overlay_start_1:
0x0: {  	(tag) =	ssettag $0x1  }
0x1: {  	s8 =	rddreg [dreg:$0x0]  }
0x2: {  	s2 =	rddreg [dreg:$0x1]  }
0x3: {  	s0 =	rddreg [dreg:$0x2];
	s1 =	stileid.u32  }
0x4: {  	s3 =	srdreg.scid;
	_ =	strace $0x80000053;
	s4 =	simm.s32 $0x1  }
0x5: {  	s7 =	simm.s32 $0x1;
	s9 =	simm.s32 $0x1;
	s10 =	simm.s32 $0x3  }
0x6: {  	s13 =	simm.s32 $0x0;
	s5 =	sand.u32 $0x1, s3;
	s6 =	sshll.u32 s1, $0x1  }
0x7: {  	s12 =	simm.s32 $0x0;
	s3 =	sadd.s32 $0x1F400, s8;
	s5 =	sor.u32 s6, s5  }
.Ltmp0:
0x8: {  	[sflag:s4] =	ssyncpa.u1 $0x0;
	p0 =	slt.u32 s5, $0x13;
	(pc) =	sbr.rel .LBB2_1-.Ltmp0, $4  }
0x9: {  	s6 =	simm.s32 $0x2;
	s7 =	simm.s32 @!p0 $0x0;
	p0 =	sne.s32 s5, $0x12  }
0xa: {  	[sflag:s6] =	ssyncpa.u1 $0x0;
	s5 =	smul.u32 $0x30, s5;
	s9 =	simm.s32 @!p0 $0x0  }
0xb: {  	s8 =	sadd.s32 $0x1F800, s8;
	[sflag:s10] =	ssyncpa.u1 $0x0;
	s7 =	sadd.s32 s9, s7  }
0xc: {  	vm0 =	vmmov $0xffff;
	s10 =	simm.s32 $0x0;
	s11 =	smov.u32 s5;
	s9 =	sadd.s32 $0x1, s7  }
.LBB2_4:
0xd: {  	v2 =	vsel vm1, $0xFFFFFFFF, v2;
	v3 =	vshll.u32 v1, $0x3  }
0xe: {  	v4 =	vand.u32 $0xFFFFE000, v2;
	v3 =	vand.u32 $0xFFFFFC00, v3;
	v2 =	vshll.u32 v2, $0x7  }
0xf: {  	v3 =	vadd.s32 v4, v3;
	v2 =	vand.u32 $0x380, v2  }
0x10: {  	v63 =	vand.u32 $0x7F, v1;
	v2 =	vor.u32 v2, v3  }
0x11: {  	v1 =	vor.u32 v63, v2;
	_ =	sdelay $0x2  }
0x12: {  	[tilespmem:s15], [sflag:$0x1] =	stream.indirect_vreg.gather [hbm4b:s3+s10], $0x1, v0, vm0, $0x4038;
	[tilespmem:$0xC0] =	vst v63  }
0x13: {  	(ifvalue) =	ssetifvalue $0x7FFFFFFF;
	s29 =	sadd.s32 $0x10, s15  }
0x14: {  	[tilespmem:s29], [sflag:$0x1] =	stream.indirect_vreg.gather [hbm4b:s3+s10], $0x1, v1, vm0, $0x4038;
	[tilespmem:$0xC0] =	vst v63  }
0x15: {  	_ =	swait.ge [sflag:s4], $0x30  }
0x16: {  	s30 =	sshrl.u32 s13, $0x3;
	[sflag:s4] =	ssyncset.done $0x0  }
0x17: {  	s31 =	sand.u32 $0x7, s13;
	s15 =	sadd.s32 s8, s30;
	[sflag:s4] =	ssyncadd.s32 $0xFFFFFFD0  }
0x18: {  	[hbm4b:s15+s31] =	stream.linear.scatter [tilespmem:s14], [sflag:$0x3], $0x30, $0x38;
	[tilespmem:$0xC0] =	vst v63  }
.LBB2_5:
0x19: {  	s15 =	sadd.s32 $0x600, s11  }
0x1a: {  	p1 =	sgt.s32 s15, $0x95F  }
0x1b: {  	s15 =	smov.u32 @p1 s5;
	p1 =	sne.s32 s12, s9  }
.Ltmp1:
0x1c: {  	p0 =	slt.u32 s12, $0x2;
	(pc) =	sbr.rel @!p1 .LBB2_6-.Ltmp1, $4  }
0x1d: {  	s14 =	simm.s32 @!p0 $0x3  }
0x1e: {  	_ =	swait.ge @!p0 [sflag:s14], $0x30  }
0x1f: {  	s16 =	sadd.s32 $0x1, s12;
	s13 =	smov.u32 s11;
	[sflag:s14] =	ssyncset.done @!p0 $0x0  }
0x20: {  	s12 =	smov.u32 s16;
	s11 =	smov.u32 s15;
	[sflag:s14] =	ssyncadd.s32 @!p0 $0xFFFFFFD0  }
.LBB2_1:
0x21: {  	p0 =	sge.u32 s12, s7  }
0x22: {  	s14 =	sxor.u32 @!p0 $0x1, s12  }
0x23: {  	s14 =	smul.u32 @!p0 $0xC0, s14  }
0x24: {  	s31 =	sadd.s32 $0xFFFFFFFF, s12;
	s15 =	sshrl.u32 @!p0 s11, $0x3  }
0x25: {  	s16 =	sand.u32 @!p0 $0x7, s11;
	s15 =	sadd.s32 @!p0 s2, s15;
	s14 =	sshra.s32 @!p0 s14, $0x2  }
0x26: {  	[tilespmem:s14], [sflag:$0x2] =	stream.linear.gather @!p0 [hbm4b:s15+s16], $0x30, $0x38;
	[tilespmem:$0xC0] =	vst v63  }
0x27: {  	p0 =	sge.u32 s31, s7  }
.Ltmp2:
0x28: {  	_ = 	snop;
	(pc) =	sbr.rel @p0 .LBB2_5-.Ltmp2, $1  }
0x29: {  	_ =	sdelay $0x3  }
0x2a: {  	s14 =	sand.u32 $0x1, s12  }
0x2b: {  	_ =	swait.ge [sflag:s6], $0x30;
	p0 =	seq.s32 s14, $0x1;
	s14 =	simm.s32 $0x30  }
0x2c: {  	[sflag:s6] =	ssyncset.done $0x0;
	s14 =	simm.s32 @!p0 $0x0  }
0x2d: {  	[sflag:s6] =	ssyncadd.s32 $0xFFFFFFD0;
	(ifvalue) =	ssetifvalue $0x7FFFFFFF;
	v0 =	vld.msk [tilespmem:s14+$0x0 ss:$0x1], $0xffff;
	_ =	sdelay $0x4  }
0x2e: {  	v1 =	vshrl.u32 v0, $0x3  }
0x2f: {  	vm1 =	veq.s32 v0, $0x80000000;
	v1 =	vand.u32 $0x3FF, v1  }
0x30: {  	v0 =	vand.u32 $0x7, v0;
	v1 =	vsel vm1, $0xFFFFFFFF, v1  }
0x31: {  	s15 =	sadd.s32 $0x10, s14;
	v0 =	vsel vm1, $0xFFFFFFFF, v0;
	v3 =	vshll.u32 v1, $0x3  }
0x32: {  	v2 =	vld.msk [tilespmem:s15+$0x0 ss:$0x1], $0xffff;
	v4 =	vand.u32 $0xFFFFE000, v0;
	v0 =	vshll.u32 v0, $0x7;
	v3 =	vand.u32 $0xFFFFFC00, v3  }
0x33: {  	v0 =	vand.u32 $0x380, v0;
	v3 =	vadd.s32 v4, v3  }
0x34: {  	v1 =	vand.u32 $0x7F, v1;
	v0 =	vor.u32 v0, v3  }
0x35: {  	v0 =	vor.u32 v1, v0;
	_ =	sdelay $0x1  }
0x36: {  	v63 =	vshrl.u32 v2, $0x3  }
0x37: {  	s16 =	simm.s32 $0x10;
	s14 =	sadd.s32 $0x60, s14;
	vm1 =	veq.s32 v2, $0x80000000;
	v3 =	vand.u32 $0x3FF, v63  }
0x38: {  	s17 =	sadd.s32 $0x10, s15;
	(ifvalue) =	ssetifvalue $0x7FFFFFFF;
	s15 =	smov.u32 s14;
	v2 =	vand.u32 $0x7, v2;
	v1 =	vsel vm1, $0xFFFFFFFF, v3  }
.LBB2_3:
0x39: {  	v3 =	vld.msk [tilespmem:s17+$0x0 ss:$0x1], $0xffff;
	v2 =	vsel vm1, $0xFFFFFFFF, v2;
	v4 =	vshll.u32 v1, $0x3;
	[tilespmem:s15], [sflag:$0x1] =	stream.indirect_vreg.gather [hbm4b:s3+s10], $0x1, v0, vm0, $0x4038  }
0x3a: {  	s16 =	sadd.s32 $0x10, s16;
	v0 =	vand.u32 $0xFFFFE000, v2;
	v4 =	vand.u32 $0xFFFFFC00, v4;
	v2 =	vshll.u32 v2, $0x7  }
0x3b: {  	p0 =	slt.u32 s16, $0x20;
	v0 =	vadd.s32 v0, v4;
	v2 =	vand.u32 $0x380, v2  }
0x3c: {  	v1 =	vand.u32 $0x7F, v1;
	v0 =	vor.u32 v2, v0  }
.Ltmp3:
0x3d: {  	v0 =	vor.u32 v1, v0;
	(pc) =	sbr.rel @p0 .LBB2_3-.Ltmp3, $4  }
0x3e: {  	_ = 	snop  }
0x3f: {  	v1 =	vshrl.u32 v3, $0x3  }
0x40: {  	vm1 =	veq.s32 v3, $0x80000000;
	v1 =	vand.u32 $0x3FF, v1  }
0x41: {  	s17 =	sadd.s32 $0x10, s17;
	s15 =	sadd.s32 $0x10, s15;
	v2 =	vand.u32 $0x7, v3;
	v1 =	vsel vm1, $0xFFFFFFFF, v1;
	(ifvalue) =	ssetifvalue $0x7FFFFFFF  }
.Ltmp4:
0x42: {  	_ = 	snop;
	(pc) =	sbr.rel .LBB2_4-.Ltmp4, $1  }
0x43: {  	_ =	sdelay $0x3  }
.LBB2_6:
0x44: {  	_ =	sfence.sel $0x180000  }
0x45: {  	s2 =	simm.s32 $0x2;
	[bflag:$0x0] =	sbarrier.arrive $0xFFFF  }
0x46: {  	s30 =	simm.s32 $0x3;
	[sflag:s2] =	ssyncpa.u1 $0x1  }
0x47: {  	s31 =	simm.s32 $0x1;
	[sflag:s30] =	ssyncpa.u1 $0x1  }
0x48: {  	[sflag:s31] =	ssyncpa.u1 $0x1  }
0x49: {  	p0 =	sne.s32 s1, $0x0;
	_ =	strace $0x90000053  }
0x4a: {  	s0 =	sadd.s32 @!p0 $0x100000, s0;
	[bflag:$0x2] =	sbarrier.arrive $0xFFFF  }
0x4b: {  	[sflag:s0] =	ssyncadd.tile.s32 @!p0 $0x1;
	_ =	shalt  }
.Lfunc_end2:
_tile_overlayer_lowered:
.L_overlay_start_2:
0x4c: {  	(tag) =	ssettag $0x2  }
0x4d: {  	s0 =	rddreg [dreg:$0x0];
	s2 =	stileid.u32  }
0x4e: {  	s1 =	rddreg [dreg:$0x1];
	p0 =	sne.s32 s2, $0x0  }
0x4f: {  	s3 =	rddreg [dreg:$0x2];
	[bflag:$0x3] =	sbarrier.arrive $0xFFFF;
	s2 =	simm.s32 @!p0 $0x1C01  }
0x50: {  	[timem:s3], [sflag:s2] =	dma.local @!p0 [hbm:s0], s1  }
0x51: {  	s0 =	simm.s32 @!p0 $0x1  }
0x52: {  	_ =	swait.ge @!p0 [sflag:s0], s1  }
0x53: {  	s1 =	ssub.s32 @!p0 $0x0, s1;
	[sflag:s0] =	ssyncset.done @!p0 $0x0  }
0x54: {  	[sflag:s0] =	ssyncadd.s32 @!p0 s1  }
0x55: {  	[bflag:$0x3] =	sbarrier.arrive $0xFFFF  }
0x56: {  	_ =	shalt  }

// kernel: gather_offload_async_start
scs
__scs_entry_jumppad:
0x0: {  	(pc) =	sbr.rel $0x88, $3  }
0x1: {  	(tag) =	ssettag $0x0;
	lr =	simm.s32 $0x1  }
0x2: {  	[smem:$0x3F9D] =	sst lr;
	_ =	strace $0xD0000000  }
0x3: {  	_ = 	snop  }
0x4: {  	_ = 	snop  }
0x5: {  	_ = 	snop  }
0x6: {  	_ = 	snop  }
0x7: {  	_ = 	snop  }
__scs_overlays_trampoline_lowered:
0x8: {  	[smem:$0x3FAC] =	sst s0  }
0x9: {  	[smem:$0x3FAD] =	sst s1  }
0xa: {  	[smem:$0x3FAE] =	sst s2  }
0xb: {  	[smem:$0x3FAF] =	sst s3  }
0xc: {  	[smem:$0x3FB0] =	sst s4  }
0xd: {  	[smem:$0x3FB1] =	sst s5  }
0xe: {  	[smem:$0x3FB2] =	sst s6  }
0xf: {  	[smem:$0x3FB3] =	sst s7  }
0x10: {  	[smem:$0x3FB4] =	sst s8  }
0x11: {  	[smem:$0x3FB5] =	sst s9;
	s0 =	simm.s32 @!p0 $0x0  }
0x12: {  	s1 =	sld [smem:$0x3F9B];
	s0 =	simm.s32 @p0 $0x1  }
0x13: {  	[smem:$0x3FB6] =	sst s0;
	s0 =	simm.s32 @!p1 $0x0  }
0x14: {  	s2 =	sld [smem:$0x3F9A];
	s0 =	simm.s32 @p1 $0x1  }
0x15: {  	[smem:$0x3FB7] =	sst s0;
	s0 =	simm.s32 @!p2 $0x0  }
0x16: {  	s3 =	sld [smem:$0x3FDB];
	s0 =	simm.s32 @p2 $0x1  }
0x17: {  	s4 =	simm.s32 $0x1BF5;
	[smem:$0x3FB9] =	sst s0  }
0x18: {  	s0 =	sld [smem:$0x3F9C];
	_ =	swait.ge [sflag:s4], $0x0  }
0x19: {  	s7 =	sld [smem:$0x3F9D]  }
0x1a: {  	s8 =	sadd.s32 $0xFFFFE003, lr  }
0x1b: {  	s9 =	sadd.s32 $0xFFFFFEF7, lr;
	s5 =	simm.s32 $0xFFFFFFFF;
	p2 =	slt.u32 s8, $0xFFFFF086  }
0x1c: {  	p1 =	slt.u32 s9, $0xF7A;
	s5 =	simm.s32 @!p2 $0x0  }
0x1d: {  	s5 =	simm.s32 @p1 $0x1;
	p0 =	seq.s32 s7, s2  }
0x1e: {  	s7 =	smul.u32 @!p0 $0xF7A, s2;
	p2 =	seq.s32 @!p0 s5, $0x0  }
0x1f: {  	s9 =	smul.u32 $0xF7A, s1;
	s8 =	simm.s32 @!p0 $0x1BF5;
	p2 =	por !p2, p0  }
0x20: {  	[sflag:s8] =	ssyncset.s32 @!p0 $0xFFFFF086;
	s6 =	sadd.s32 @!p0 s3, s7;
	s7 =	simm.s32 @!p0 $0x108  }
0x21: {  	s3 =	sadd.s32 s3, s9;
	s6 =	sadd.s32 @!p0 $0x88, s6;
	s7 =	simm.s32 @p2 $0x1082  }
0x22: {  	[simem:s7], [sflag:s8] =	dma.local @!p0 [hbm:s6], $0xF7A  }
0x23: {  	s9 =	sor.u32 $0xD0000000, s2;
	s6 =	simm.s32 $0x108;
	_ =	swait.ge @!p0 [sflag:s8], $0x0  }
0x24: {  	s3 =	sadd.s32 $0x88, s3;
	s6 =	simm.s32 @!p1 $0x1082;
	[sflag:s4] =	ssyncset.s32 $0xFFFFF086  }
0x25: {  	[simem:s6], [sflag:s4] =	dma.local [hbm:s3], $0xF7A  }
0x26: {  	[smem:$0x3F9D] =	sst s1;
	(tag) =	ssettag s2;
	_ =	strace s9  }
0x27: {  	s1 =	sld [smem:$0x3FAD]  }
0x28: {  	s2 =	sld [smem:$0x3FAE]  }
0x29: {  	s4 =	sld [smem:$0x3FB0]  }
0x2a: {  	p0 =	seq.s32 s5, $0x0;
	s5 =	sld [smem:$0x3FB1]  }
0x2b: {  	s6 =	sld [smem:$0x3FB2]  }
0x2c: {  	s7 =	sld [smem:$0x3FB3]  }
0x2d: {  	s3 =	simm.s32 $0x108;
	s8 =	sld [smem:$0x3FB4]  }
0x2e: {  	s3 =	simm.s32 @!p0 $0x1082;
	s9 =	sld [smem:$0x3FB5]  }
0x2f: {  	lr =	sadd.s32 s0, s3;
	s0 =	sld [smem:$0x3FAC]  }
0x30: {  	s3 =	sld [smem:$0x3FAF]  }
0x31: {  	[smem:$0x3FB8] =	sst s10  }
0x32: {  	s10 =	sld [smem:$0x3FB6];
	_ =	sdelay $0x3  }
0x33: {  	p0 =	seq.s32 s10, $0x1;
	s10 =	sld [smem:$0x3FB8];
	_ =	sdelay $0x3  }
0x34: {  	[smem:$0x3FB8] =	sst s10  }
0x35: {  	s10 =	sld [smem:$0x3FB7];
	_ =	sdelay $0x3  }
0x36: {  	p1 =	seq.s32 s10, $0x1;
	s10 =	sld [smem:$0x3FB8];
	_ =	sdelay $0x3  }
0x37: {  	[smem:$0x3FB8] =	sst s10  }
0x38: {  	s10 =	sld [smem:$0x3FB9]  }
0x39: {  	_ = 	snop;
	(pc) =	sbr.ind lr, $3  }
0x3a: {  	_ = 	snop  }
0x3b: {  	_ = 	snop  }
0x3c: {  	p2 =	seq.s32 s10, $0x1;
	s10 =	sld [smem:$0x3FB8]  }
0x3d: {  	_ =	shalt  }
0x3e: {  	_ =	shalt  }
0x3f: {  	_ =	shalt  }
0x40: {  	_ =	shalt  }
0x41: {  	_ =	shalt  }
0x42: {  	_ =	shalt  }
0x43: {  	_ =	shalt  }
0x44: {  	_ =	shalt  }
0x45: {  	_ =	shalt  }
0x46: {  	_ =	shalt  }
0x47: {  	_ =	shalt  }
0x48: {  	_ =	shalt  }
0x49: {  	_ =	shalt  }
0x4a: {  	_ =	shalt  }
0x4b: {  	_ =	shalt  }
0x4c: {  	_ =	shalt  }
0x4d: {  	_ =	shalt  }
0x4e: {  	_ =	shalt  }
0x4f: {  	_ =	shalt  }
0x50: {  	_ =	shalt  }
0x51: {  	_ =	shalt  }
0x52: {  	_ =	shalt  }
0x53: {  	_ =	shalt  }
0x54: {  	_ =	shalt  }
0x55: {  	_ =	shalt  }
0x56: {  	_ =	shalt  }
0x57: {  	_ =	shalt  }
0x58: {  	_ =	shalt  }
0x59: {  	_ =	shalt  }
0x5a: {  	_ =	shalt  }
0x5b: {  	_ =	shalt  }
0x5c: {  	_ =	shalt  }
0x5d: {  	_ =	shalt  }
0x5e: {  	_ =	shalt  }
0x5f: {  	_ =	shalt  }
0x60: {  	_ =	shalt  }
0x61: {  	_ =	shalt  }
0x62: {  	_ =	shalt  }
0x63: {  	_ =	shalt  }
0x64: {  	_ =	shalt  }
0x65: {  	_ =	shalt  }
0x66: {  	_ =	shalt  }
0x67: {  	_ =	shalt  }
0x68: {  	_ =	shalt  }
0x69: {  	_ =	shalt  }
0x6a: {  	_ =	shalt  }
0x6b: {  	_ =	shalt  }
0x6c: {  	_ =	shalt  }
0x6d: {  	_ =	shalt  }
0x6e: {  	_ =	shalt  }
0x6f: {  	_ =	shalt  }
0x70: {  	_ =	shalt  }
0x71: {  	_ =	shalt  }
0x72: {  	_ =	shalt  }
0x73: {  	_ =	shalt  }
0x74: {  	_ =	shalt  }
0x75: {  	_ =	shalt  }
0x76: {  	_ =	shalt  }
0x77: {  	_ =	shalt  }
0x78: {  	_ =	shalt  }
0x79: {  	_ =	shalt  }
0x7a: {  	_ =	shalt  }
0x7b: {  	_ =	shalt  }
0x7c: {  	_ =	shalt  }
0x7d: {  	_ =	shalt  }
0x7e: {  	_ =	shalt  }
0x7f: {  	_ =	shalt  }
0x80: {  	_ =	shalt  }
0x81: {  	_ =	shalt  }
0x82: {  	_ =	shalt  }
0x83: {  	_ =	shalt  }
0x84: {  	_ =	shalt  }
0x85: {  	_ =	shalt  }
0x86: {  	_ =	shalt  }
0x87: {  	_ =	shalt  }
.Lfunc_end0:
.L_simem_size_0:
called_computation.3_lowered:
.L_overlay_start_0:
0x88: {  	s2 =	sld [smem:$0x3FD9]  }
0x89: {  	s3 =	sld [smem:$0x3FFE];
	_ =	sdelay $0x1  }
0x8a: {  	s1 =	srdreg.scid  }
0x8b: {  	s0 =	sand.u32 $0x1, s1  }
0x8c: {  	s17 =	sshll.u32 s0, $0xA;
	s2 =	sadd.s32 s3, s2  }
0x8d: {  	s2 =	sadd.s32 s2, s17  }
0x8e: {  	[smem:$0x3FC4] =	sst s2  }
0x8f: {  	_ = 	snop  }
0x90: {  	s2 =	sld [smem:$0x3FD0];
	(tm) =	ssettm $0x1  }
0x91: {  	s18 =	sld [smem:$0x3FFB];
	_ =	sdelay $0x3  }
0x92: {  	_ =	strace s18  }
0x93: {  	s3 =	sld [smem:$0x3FFC];
	_ =	sdelay $0x3  }
0x94: {  	_ =	strace s3  }
0x95: {  	s3 =	sld [smem:$0x3FFD];
	_ =	sdelay $0x3  }
0x96: {  	_ =	strace s3  }
0x97: {  	_ =	strace $0x8FFFFFFF  }
0x98: {  	s19 =	sld [smem:$0x3FDB];
	_ =	sdelay $0x1  }
0x99: {  	s4 =	simm.s32 $_scs_section_size  }
0x9a: {  	s5 =	simm.s32 $_size__tile_overlayer_lowered;
	s6 =	simm.s32 $_tile_overlayer_lowered  }
0x9b: {  	s22 =	simm.s32 $0x1BFF;
	s21 =	sshll.u32 s6, $0x1;
	s3 =	sadd.s32 s4, s19  }
0x9c: {  	s7 =	simm.s32 $0x0;
	s20 =	sshll.u32 s5, $0x1;
	s5 =	sadd.s32 s21, s3  }
0x9d: {  	[timem:s7], [sflag:s22] =	dma.local [hbm:s5], s20  }
0x9e: {  	_ =	swait.ge [sflag:s22], s20  }
0x9f: {  	s4 =	ssub.s32 $0x0, s20;
	[sflag:s22] =	ssyncset.done $0x0  }
0xa0: {  	[sflag:s22] =	ssyncadd.s32 s4;
	_ =	sdelay $0x1  }
0xa1: {  	s23 =	simm.s32 $0x1B8B  }
0xa2: {  	_ =	swait.ge [sflag:s23], $0x1  }
0xa3: {  	[sflag:s23] =	ssyncset.done $0x0  }
0xa4: {  	s25 =	simm.s32 $0x1B8E;
	s24 =	sld [smem:$0x3FFE];
	[sflag:s23] =	ssyncadd.s32 $0xFFFFFFFF  }
0xa5: {  	s26 =	simm.s32 $execute0_lowered;
	[smem:$0x3FD2] =	sst s25  }
0xa6: {  	s5 =	sshll.u32 s26, $0x1;
	_ =	strace $0x8000004F;
	[dreg:$0x1] =	wrdreg $0xFFFFFFFF  }
0xa7: {  	s28 =	simm.s32 $_size_execute0_lowered;
	s3 =	sadd.s32 s3, s5;
	[dreg:$0x0] =	wrdreg $0x0  }
0xa8: {  	s5 =	sshll.u32 s28, $0x1;
	[dreg:$0x2] =	wrdreg s3  }
0xa9: {  	[dreg:$0x3] =	wrdreg s5  }
0xaa: {  	[dreg:$0x4] =	wrdreg $0xC0  }
0xab: {  	_ =	task [dreg:s7], $0x5FFFF  }
0xac: {  	[dreg:$0x1] =	wrdreg $0xFFFFFFFF  }
0xad: {  	[dreg:$0x0] =	wrdreg $0x60  }
0xae: {  	[dreg:$0x2] =	wrdreg s24  }
0xaf: {  	[dreg:$0x3] =	wrdreg s2  }
0xb0: {  	[dreg:$0x4] =	wrdreg $0x9  }
0xb1: {  	_ =	task.clear_ibuf [dreg:s7], $0x5FFFF;
	_ =	strace $0x9000004F  }
0xb2: {  	s29 =	simm.s32 $0x9;
	_ =	strace $0x80000051  }
0xb3: {  	_ =	swait.ge [sflag:s29], $0x1  }
0xb4: {  	[sflag:s29] =	ssyncadd.s32 $0xFFFFFFFF  }
0xb5: {  	_ =	strace $0x90000051  }
0xb6: {  	_ =	sfence  }
0xb7: {  	s30 =	sld [smem:$0x0];
	_ =	sdelay $0x2  }
0xb8: {  	s31 =	sshll.u32 s1, $0xD;
	s1 =	sshrl.u32 s1, $0x2  }
0xb9: {  	s3 =	sand.u32 $0x4000, s31;
	s1 =	sadd.s32 s1, s30  }
0xba: {  	s0 =	sor.u32 s3, s0;
	s1 =	sshll.u32 s1, $0x11  }
0xbb: {  	s0 =	sor.u32 s1, s0  }
0xbc: {  	s0 =	sadd.s32 $0x8F2B, s0  }
0xbd: {  	[sflag:s0] =	ssyncadd.remote.s32 $0x1  }
0xbe: {  	_ =	sfence.sel $0xFFFF  }
0xbf: {  	[dreg:$0x0] =	wrdreg $0xFFFFFFFF;
	(pc) =	sbr.abs _section_cstart, $3  }
0xc0: {  	[dreg:$0x1] =	wrdreg $0xFFFFFFFF  }
0xc1: {  	_ =	task.clear_ibuf [dreg:s7], $0x2FFFF;
	_ =	strace $0x9FFFFFFF  }
0xc2: {  	(tm) =	ssettm $0x7FFFFFFF  }
0xc3: {  	_ =	shalt  }
tec
execute0_lowered:
.L_overlay_start_1:
0x0: {  	(tag) =	ssettag $0x1  }
0x1: {  	s0 =	srdreg.scid  }
0x2: {  	s1 =	sshll.u32 s0, $0x4  }
0x3: {  	s0 =	stileid.u32;
	s1 =	sand.u32 $0x10, s1  }
0x4: {  	s2 =	sor.u32 s0, s1  }
0x5: {  	s1 =	smin.u32 s2, $0x12  }
0x6: {  	s1 =	sadd.s32 s2, s1  }
0x7: {  	p0 =	slt.u32 s2, $0x12;
	s2 =	simm.s32 $0x140;
	s1 =	smul.u32 $0xA0, s1  }
0x8: {  	s2 =	simm.s32 @!p0 $0xA0  }
0x9: {  	s2 =	sadd.s32 s2, s1  }
0xa: {  	s3 =	smin.u32 s2, $0x1F40  }
0xb: {  	s7 =	ssub.s32 s3, s1  }
0xc: {  	p0 =	sgt.s32 s7, $0x0  }
0xd: {  	s7 =	simm.s32 @!p0 $0x0  }
0xe: {  	s9 =	rddreg [dreg:$0x0];
	s31 =	smul.u32 $0xCCCD, s7  }
0xf: {  	s4 =	rddreg [dreg:$0x1];
	s6 =	simm.s32 $0x1  }
0x10: {  	s11 =	simm.s32 $0x3;
	s13 =	simm.s32 $0x0;
	s8 =	sshrl.u32 s31, $0x17  }
0x11: {  	s12 =	simm.s32 $0x0;
	s5 =	sadd.s32 $0x9A1C00, s9;
	s10 =	smul.u32 $0xA0, s8  }
.Ltmp0:
0x12: {  	s9 =	sadd.s32 $0x1F800, s9;
	s2 =	rddreg [dreg:$0x2];
	(pc) =	sbr.rel .LBB2_1-.Ltmp0, $4  }
0x13: {  	_ =	strace $0x80000050;
	p0 =	sne.s32 s7, s10;
	s10 =	simm.s32 $0x1  }
0x14: {  	[sflag:s6] =	ssyncpa.u1 $0x0;
	s7 =	simm.s32 $0x2;
	s10 =	simm.s32 @!p0 $0x0  }
0x15: {  	[sflag:s7] =	ssyncpa.u1 $0x0;
	p0 =	por $0x0, $0x0;
	s8 =	sadd.s32 s8, s10  }
0x16: {  	vm0 =	vmmov $0xff;
	vm1 =	vcmask $0x3F20;
	[sflag:s11] =	ssyncpa.u1 $0x0;
	s11 =	smov.u32 s1;
	s10 =	sadd.s32 $0x1, s8  }
.LBB2_6:
0x17: {  	[hbm:s17] =	stream.linear.scatter [tilespmem:s14], [sflag:$0x3], $0x400, $0x38;
	[tilespmem:$0xA140] =	vst v63  }
.LBB2_7:
0x18: {  	s13 =	sadd.s32 $0xA0, s11  }
0x19: {  	s15 =	smov.u32 s1;
	p2 =	slt.s32 s13, s3  }
0x1a: {  	s15 =	smov.u32 @p2 s13;
	p2 =	sne.s32 s12, s10  }
.Ltmp1:
0x1b: {  	p1 =	slt.u32 s12, $0x2;
	(pc) =	sbr.rel @!p2 .LBB2_8-.Ltmp1, $4  }
0x1c: {  	s14 =	simm.s32 @!p1 $0x3  }
0x1d: {  	s16 =	sadd.s32 $0x1, s12;
	_ =	swait.ge @!p1 [sflag:s14], $0x5000  }
0x1e: {  	p0 =	por !p0, !p0;
	s13 =	smov.u32 s11;
	[sflag:s14] =	ssyncset.done @!p1 $0x0  }
0x1f: {  	s12 =	smov.u32 s16;
	s11 =	smov.u32 s15;
	[sflag:s14] =	ssyncadd.s32 @!p1 $0xFFFFB000  }
.LBB2_1:
0x20: {  	p1 =	sge.u32 s12, s8  }
0x21: {  	s14 =	sxor.u32 @!p1 $0xFFFFFFFF, s12  }
0x22: {  	s14 =	sand.u32 @!p1 $0x1, s14  }
0x23: {  	s14 =	smul.u32 @!p1 $0x280, s14  }
0x24: {  	s31 =	sadd.s32 $0xFFFFFFFF, s12;
	s15 =	sshrl.u32 @!p1 s11, $0x3  }
0x25: {  	s16 =	sand.u32 @!p1 $0x7, s11;
	s15 =	sadd.s32 @!p1 s4, s15;
	s14 =	sshrl.u32 @!p1 s14, $0x2  }
0x26: {  	[tilespmem:s14], [sflag:$0x2] =	stream.linear.gather @!p1 [hbm4b:s15+s16], $0xA0, $0x38;
	[tilespmem:$0xA140] =	vst v63  }
0x27: {  	p1 =	sge.u32 s31, s8  }
.Ltmp2:
0x28: {  	_ = 	snop;
	(pc) =	sbr.rel @p1 .LBB2_7-.Ltmp2, $1  }
0x29: {  	_ =	sdelay $0x3  }
0x2a: {  	s14 =	simm.s32 $0x1  }
0x2b: {  	s14 =	simm.s32 @!p0 $0x0  }
0x2c: {  	s15 =	smul.u32 $0x280, s14  }
0x2d: {  	_ =	swait.ge [sflag:s7], $0xA0  }
0x2e: {  	[sflag:s7] =	ssyncset.done $0x0;
	s16 =	sshrl.u32 s15, $0x2  }
0x2f: {  	[sflag:s7] =	ssyncadd.s32 $0xFFFFFF60;
	s15 =	sadd.s32 $0x0, s16  }
0x30: {  	v0 =	vld.msk [tilespmem:s15+$0x0 ss:$0x1], $0xffff;
	_ =	sdelay $0x4  }
0x31: {  	v1 =	vand.u32 $0x7, v0;
	v2 =	vshll.u32 v0, $0x4  }
0x32: {  	vm2 =	veq.s32 v0, $0x80000000;
	v0 =	vmul.u32 $0x313800, v1;
	v1 =	vand.u32 $0x3FFF80, v2  }
0x33: {  	v1 =	vsel vm2, $0xFFFFFF80, v1  }
0x34: {  	v0 =	vsel vm2, $0xFFCEC800, v0;
	v2 =	vand.u32 $0xFFFFFC00, v1  }
0x35: {  	v1 =	vand.u32 $0x380, v1;
	v0 =	vadd.s32 v0, v2  }
0x36: {  	v0 =	vor.u32 v1, v0  }
0x37: {  	v0 =	vshrl.u32 v0, $0x3  }
0x38: {  	s14 =	smul.u32 $0x14000, s14;
	_ =	sdelay $0x1  }
0x39: {  	s14 =	sshrl.u32 s14, $0x2  }
0x3a: {  	s14 =	sor.u32 $0x140, s14  }
0x3b: {  	[tilespmem:s14], [sflag:$0x1] =	stream.indirect_vreg.gather [hbm:s5], $0x80, v0, vm0, $0x38;
	[tilespmem:$0xA140] =	vst v63  }
0x3c: {  	s17 =	sadd.s32 $0x10, s16;
	s15 =	sadd.s32 $0x400, s14  }
0x3d: {  	[tilespmem:s15], [sflag:$0x1] =	stream.indirect_vreg.gather [hbm:s5], $0x80, v0, vm1, $0x38;
	[tilespmem:$0xA140] =	vst v63  }
0x3e: {  	s18 =	simm.s32 $0x80;
	v0 =	vld.msk [tilespmem:s17+$0x0 ss:$0x1], $0xffff;
	s17 =	smov.u32 s14  }
.LBB2_3:
0x3f: {  	p1 =	sne.s32 s18, $0x240;
	_ =	sdelay $0x4  }
0x40: {  	v1 =	vand.u32 $0x7, v0;
	v2 =	vshll.u32 v0, $0x4  }
0x41: {  	vm2 =	veq.s32 v0, $0x80000000;
	v0 =	vmul.u32 $0x313800, v1;
	v1 =	vand.u32 $0x3FFF80, v2  }
0x42: {  	v1 =	vsel vm2, $0xFFFFFF80, v1  }
0x43: {  	v0 =	vsel vm2, $0xFFCEC800, v0;
	v2 =	vand.u32 $0xFFFFFC00, v1  }
0x44: {  	v1 =	vand.u32 $0x380, v1;
	v0 =	vadd.s32 v0, v2  }
0x45: {  	v0 =	vor.u32 v1, v0  }
0x46: {  	v0 =	vshrl.u32 v0, $0x3;
	_ =	sdelay $0x3  }
.Ltmp3:
0x47: {  	s19 =	sshra.s32 s18, $0x2;
	s17 =	sadd.s32 $0x800, s17;
	(pc) =	sbr.rel @p1 .LBB2_3-.Ltmp3, $4  }
0x48: {  	[tilespmem:s17], [sflag:$0x1] =	stream.indirect_vreg.gather [hbm:s5], $0x80, v0, vm0, $0x38;
	[tilespmem:$0xA140] =	vst v63  }
0x49: {  	s19 =	sadd.s32 s19, s16;
	s20 =	sadd.s32 $0x400, s17  }
0x4a: {  	[tilespmem:s20], [sflag:$0x1] =	stream.indirect_vreg.gather [hbm:s5], $0x80, v0, vm1, $0x38;
	[tilespmem:$0xA140] =	vst v63  }
0x4b: {  	s18 =	sadd.s32 $0x40, s18;
	v0 =	vld.msk [tilespmem:s19+$0x0 ss:$0x1], $0xffff  }
0x4c: {  	_ =	sdelay $0x3  }
0x4d: {  	v1 =	vand.u32 $0x7, v0;
	v2 =	vshll.u32 v0, $0x4  }
0x4e: {  	vm2 =	veq.s32 v0, $0x80000000;
	v61 =	vmul.u32 $0x313800, v1;
	v62 =	vand.u32 $0x3FFF80, v2  }
0x4f: {  	v1 =	vsel vm2, $0xFFFFFF80, v62  }
0x50: {  	v0 =	vsel vm2, $0xFFCEC800, v61;
	v63 =	vand.u32 $0xFFFFFC00, v1  }
0x51: {  	v1 =	vand.u32 $0x380, v1;
	v0 =	vadd.s32 v0, v63  }
0x52: {  	v0 =	vor.u32 v1, v0  }
0x53: {  	v0 =	vshrl.u32 v0, $0x3;
	_ =	sdelay $0x3  }
0x54: {  	s16 =	sadd.s32 $0x800, s17  }
0x55: {  	[tilespmem:s16], [sflag:$0x1] =	stream.indirect_vreg.gather [hbm:s5], $0x80, v0, vm0, $0x38;
	[tilespmem:$0xA140] =	vst v63  }
0x56: {  	s16 =	sadd.s32 $0x400, s16  }
0x57: {  	[tilespmem:s16], [sflag:$0x1] =	stream.indirect_vreg.gather [hbm:s5], $0x80, v0, vm1, $0x38;
	[tilespmem:$0xA140] =	vst v63  }
0x58: {  	s13 =	sshll.u32 s13, $0x4;
	_ =	swait.ge [sflag:s6], $0x5000  }
0x59: {  	s13 =	sadd.s32 s13, s9;
	[sflag:s6] =	ssyncset.done $0x0  }
0x5a: {  	s17 =	sadd.s32 $0x0, s13;
	s16 =	simm.s32 $0x80;
	[sflag:s6] =	ssyncadd.s32 $0xFFFFB000  }
.LBB2_5:
0x5b: {  	[hbm:s17] =	stream.linear.scatter [tilespmem:s14], [sflag:$0x3], $0x400, $0x38;
	[tilespmem:$0xA140] =	vst v63  }
0x5c: {  	s17 =	smov.u32 s16;
	s14 =	smov.u32 s15;
	p1 =	sne.s32 s16, $0x980  }
.Ltmp4:
0x5d: {  	s16 =	sadd.s32 $0x80, s16;
	(pc) =	sbr.rel @p1 .LBB2_5-.Ltmp4, $2  }
0x5e: {  	_ =	sdelay $0x2  }
0x5f: {  	s15 =	sadd.s32 $0x400, s15;
	s17 =	sadd.s32 s17, s13  }
.Ltmp5:
0x60: {  	_ = 	snop;
	(pc) =	sbr.rel .LBB2_6-.Ltmp5, $1  }
0x61: {  	_ =	sdelay $0x3  }
.LBB2_8:
0x62: {  	_ =	sfence.sel $0x180000  }
0x63: {  	s1 =	simm.s32 $0x2;
	[bflag:$0x0] =	sbarrier.arrive $0xFFFF  }
0x64: {  	s30 =	simm.s32 $0x3;
	[sflag:s1] =	ssyncpa.u1 $0x1  }
0x65: {  	s31 =	simm.s32 $0x1;
	[sflag:s30] =	ssyncpa.u1 $0x1  }
0x66: {  	[sflag:s31] =	ssyncpa.u1 $0x1  }
0x67: {  	p0 =	sne.s32 s0, $0x0;
	_ =	strace $0x90000050  }
0x68: {  	s0 =	sadd.s32 @!p0 $0x100000, s2;
	[bflag:$0x2] =	sbarrier.arrive $0xFFFF  }
0x69: {  	[sflag:s0] =	ssyncadd.tile.s32 @!p0 $0x1;
	_ =	shalt  }
.Lfunc_end2:
_tile_overlayer_lowered:
.L_overlay_start_2:
0x6a: {  	(tag) =	ssettag $0x2  }
0x6b: {  	s0 =	rddreg [dreg:$0x0];
	s2 =	stileid.u32  }
0x6c: {  	s1 =	rddreg [dreg:$0x1];
	p0 =	sne.s32 s2, $0x0  }
0x6d: {  	s3 =	rddreg [dreg:$0x2];
	[bflag:$0x3] =	sbarrier.arrive $0xFFFF;
	s2 =	simm.s32 @!p0 $0x1C01  }
0x6e: {  	[timem:s3], [sflag:s2] =	dma.local @!p0 [hbm:s0], s1  }
0x6f: {  	s0 =	simm.s32 @!p0 $0x1  }
0x70: {  	_ =	swait.ge @!p0 [sflag:s0], s1  }
0x71: {  	s1 =	ssub.s32 @!p0 $0x0, s1;
	[sflag:s0] =	ssyncset.done @!p0 $0x0  }
0x72: {  	[sflag:s0] =	ssyncadd.s32 @!p0 s1  }
0x73: {  	[bflag:$0x3] =	sbarrier.arrive $0xFFFF  }
0x74: {  	_ =	shalt  }

// kernel: sparse-core-data-format-call.1.cloned.1.call-start
scs
called_computation.1_lowered:
.L_overlay_start_0:
0x0: {  	s1 =	sld [smem:$0x3FD9]  }
0x1: {  	s2 =	sld [smem:$0x3FFE];
	_ =	sdelay $0x1  }
0x2: {  	s3 =	srdreg.scid  }
0x3: {  	s0 =	sand.u32 $0x1, s3  }
0x4: {  	s17 =	sshll.u32 s0, $0xA;
	s1 =	sadd.s32 s2, s1  }
0x5: {  	s1 =	sadd.s32 s1, s17  }
0x6: {  	[smem:$0x3FC4] =	sst s1  }
0x7: {  	_ = 	snop  }
0x8: {  	(tm) =	ssettm $0x1  }
0x9: {  	s18 =	sld [smem:$0x3FFB];
	_ =	sdelay $0x3  }
0xa: {  	_ =	strace s18  }
0xb: {  	s1 =	sld [smem:$0x3FFC];
	_ =	sdelay $0x3  }
0xc: {  	_ =	strace s1  }
0xd: {  	s1 =	sld [smem:$0x3FFD];
	_ =	sdelay $0x3  }
0xe: {  	_ =	strace s1  }
0xf: {  	_ =	strace $0x8FFFFFFF  }
0x10: {  	s19 =	sld [smem:$0x3FDB];
	_ =	sdelay $0x1  }
0x11: {  	s20 =	simm.s32 $_scs_section_size  }
0x12: {  	s4 =	simm.s32 $_size__tile_overlayer_lowered;
	s5 =	simm.s32 $_tile_overlayer_lowered  }
0x13: {  	s23 =	simm.s32 $0x1BFF;
	s22 =	sshll.u32 s5, $0x1;
	s1 =	sadd.s32 s20, s19  }
0x14: {  	s6 =	simm.s32 $0x0;
	s21 =	sshll.u32 s4, $0x1;
	s4 =	sadd.s32 s22, s1  }
0x15: {  	[timem:s6], [sflag:s23] =	dma.local [hbm:s4], s21  }
0x16: {  	_ =	swait.ge [sflag:s23], s21  }
0x17: {  	s2 =	ssub.s32 $0x0, s21;
	[sflag:s23] =	ssyncset.done $0x0  }
0x18: {  	[sflag:s23] =	ssyncadd.s32 s2;
	_ =	sdelay $0x1  }
0x19: {  	s24 =	simm.s32 $0x1B8B  }
0x1a: {  	_ =	swait.ge [sflag:s24], $0x1  }
0x1b: {  	[sflag:s24] =	ssyncset.done $0x0  }
0x1c: {  	s26 =	simm.s32 $0x1B8E;
	s25 =	sld [smem:$0x3FFE];
	[sflag:s24] =	ssyncadd.s32 $0xFFFFFFFF  }
0x1d: {  	s27 =	simm.s32 $execute0_lowered;
	[smem:$0x3FD2] =	sst s26  }
0x1e: {  	s4 =	sshll.u32 s27, $0x1;
	_ =	strace $0x80000049;
	[dreg:$0x1] =	wrdreg $0xFFFFFFFF  }
0x1f: {  	s28 =	simm.s32 $_size_execute0_lowered;
	s1 =	sadd.s32 s1, s4;
	[dreg:$0x0] =	wrdreg $0x0  }
0x20: {  	s4 =	sshll.u32 s28, $0x1;
	[dreg:$0x2] =	wrdreg s1  }
0x21: {  	[dreg:$0x3] =	wrdreg s4  }
0x22: {  	[dreg:$0x4] =	wrdreg $0xC0  }
0x23: {  	_ =	task [dreg:s6], $0x5FFFF  }
0x24: {  	[dreg:$0x1] =	wrdreg $0xFFFFFFFF  }
0x25: {  	[dreg:$0x0] =	wrdreg $0x60  }
0x26: {  	[dreg:$0x2] =	wrdreg s25  }
0x27: {  	[dreg:$0x3] =	wrdreg $0x9  }
0x28: {  	_ =	task.clear_ibuf [dreg:s6], $0x4FFFF;
	_ =	strace $0x90000049  }
0x29: {  	s29 =	simm.s32 $0x9;
	_ =	strace $0x8000004B  }
0x2a: {  	_ =	swait.ge [sflag:s29], $0x1  }
0x2b: {  	[sflag:s29] =	ssyncadd.s32 $0xFFFFFFFF  }
0x2c: {  	_ =	strace $0x9000004B  }
0x2d: {  	_ =	sfence  }
0x2e: {  	s30 =	sld [smem:$0x0];
	_ =	sdelay $0x2  }
0x2f: {  	s31 =	sshll.u32 s3, $0xD;
	s3 =	sshrl.u32 s3, $0x2  }
0x30: {  	s2 =	sand.u32 $0x4000, s31;
	s1 =	sadd.s32 s3, s30  }
0x31: {  	s0 =	sor.u32 s2, s0;
	s1 =	sshll.u32 s1, $0x11  }
0x32: {  	s0 =	sor.u32 s1, s0  }
0x33: {  	s0 =	sadd.s32 $0x8F2B, s0  }
0x34: {  	[sflag:s0] =	ssyncadd.remote.s32 $0x1  }
0x35: {  	_ =	sfence.sel $0xFFFF  }
0x36: {  	[dreg:$0x0] =	wrdreg $0xFFFFFFFF;
	(pc) =	sbr.abs _section_cstart, $3  }
0x37: {  	[dreg:$0x1] =	wrdreg $0xFFFFFFFF  }
0x38: {  	_ =	task.clear_ibuf [dreg:s6], $0x2FFFF;
	_ =	strace $0x9FFFFFFF  }
0x39: {  	(tm) =	ssettm $0x7FFFFFFF  }
tec
execute0_lowered:
.L_overlay_start_1:
0x0: {  	(tag) =	ssettag $0x1  }
0x1: {  	s0 =	srdreg.scid  }
0x2: {  	s5 =	rddreg [dreg:$0x0];
	s1 =	sshll.u32 s0, $0x4  }
0x3: {  	s4 =	simm.s32 $0x1;
	s0 =	stileid.u32;
	s1 =	sand.u32 $0x10, s1  }
0x4: {  	s8 =	simm.s32 $0x2;
	s13 =	simm.s32 $0x0;
	s2 =	sor.u32 s0, s1  }
0x5: {  	s9 =	simm.s32 $0x313800;
	s10 =	simm.s32 $0x0;
	s2 =	sshll.u32 s2, $0x4  }
0x6: {  	s12 =	simm.s32 $0x0;
	s3 =	sadd.s32 $0xA2E400, s5;
	s6 =	ssub.s32 $0x6270, s2  }
.Ltmp0:
0x7: {  	s1 =	rddreg [dreg:$0x1];
	s7 =	sand.u32 $0x1F0, s6;
	(pc) =	sbr.rel .LBB1_1-.Ltmp0, $4  }
0x8: {  	_ =	strace $0x8000004A;
	p0 =	sne.s32 s7, $0x0;
	s7 =	simm.s32 $0x1  }
0x9: {  	[sflag:s4] =	ssyncpa.u1 $0x0;
	s6 =	sshrl.u32 s6, $0x9;
	s7 =	simm.s32 @!p0 $0x0  }
0xa: {  	s5 =	sadd.s32 $0x27D800, s5;
	[sflag:s8] =	ssyncpa.u1 $0x0;
	s6 =	sadd.s32 s7, s6  }
0xb: {  	s8 =	simm.s32 $0x800;
	s11 =	smov.u32 s2;
	s7 =	sadd.s32 $0x1, s6  }
.LBB1_7:
0xc: {  	s15 =	sadd.s32 $0x200, s11  }
0xd: {  	p1 =	sgt.s32 s15, $0x626F  }
0xe: {  	s15 =	smov.u32 @p1 s2;
	p1 =	sne.s32 s12, s7  }
.Ltmp1:
0xf: {  	p0 =	slt.u32 s12, $0x2;
	(pc) =	sbr.rel @!p1 .LBB1_8-.Ltmp1, $4  }
0x10: {  	s14 =	simm.s32 @!p0 $0x2  }
0x11: {  	s16 =	sadd.s32 $0x1, s12;
	_ =	swait.ge @!p0 [sflag:s14], $0x4000  }
0x12: {  	s13 =	smov.u32 s11;
	s10 =	sadd.s32 $0x4000, s10;
	[sflag:s14] =	ssyncset.done @!p0 $0x0  }
0x13: {  	s12 =	smov.u32 s16;
	s11 =	smov.u32 s15;
	[sflag:s14] =	ssyncadd.s32 @!p0 $0xFFFFC000  }
.LBB1_1:
0x14: {  	p0 =	sge.u32 s12, s6  }
0x15: {  	s14 =	sxor.u32 @!p0 $0xFFFFFFFF, s12  }
0x16: {  	s31 =	sadd.s32 $0xFFFFFFFF, s12;
	s15 =	sshll.u32 @!p0 s11, $0x7;
	s14 =	sshll.u32 @!p0 s14, $0xE  }
0x17: {  	s16 =	simm.s32 @!p0 $0x0;
	s15 =	sadd.s32 @!p0 s3, s15;
	s14 =	sand.u32 @!p0 $0x4000, s14  }
0x18: {  	[tilespmem:s14], [sflag:$0x1] =	stream.linear.gather @!p0 [hbm4b:s15+s16], $0x4000, $0x38;
	[tilespmem:$0x10000] =	vst v63  }
0x19: {  	p0 =	sge.u32 s31, s6  }
.Ltmp2:
0x1a: {  	_ = 	snop;
	(pc) =	sbr.rel @p0 .LBB1_7-.Ltmp2, $1  }
0x1b: {  	_ =	sdelay $0x3  }
0x1c: {  	s14 =	sand.u32 $0x4000, s10  }
0x1d: {  	_ =	swait.ge [sflag:s4], $0x4000;
	s17 =	sshll.u32 s12, $0xE;
	s15 =	sor.u32 $0x8040, s14  }
0x1e: {  	s16 =	sor.u32 $0x40, s14;
	[sflag:s4] =	ssyncset.done $0x0;
	s31 =	sand.u32 $0x4000, s17  }
0x1f: {  	s17 =	simm.s32 $0x0;
	[sflag:s4] =	ssyncadd.s32 $0xFFFFC000;
	s14 =	sor.u32 $0x8000, s31  }
.LBB1_3:
0x20: {  	v0 =	vmov s16;
	_ =	sdelay $0x3  }
0x21: {  	s19 =	simm.s32 $0x0  }
0x22: {  	v6 =	vld.idx.msk [tilespmem:v0+s19+$0x30 ss:$0x1], $0xffff  }
0x23: {  	v7 =	vld.idx.msk [tilespmem:v0+s19+$0xFFFFFFC0 ss:$0x1], $0xffff  }
0x24: {  	v5 =	vld.idx.msk [tilespmem:v0+s19+$0xFFFFFFD0 ss:$0x1], $0xffff  }
0x25: {  	v4 =	vld.idx.msk [tilespmem:v0+s19+$0xFFFFFFE0 ss:$0x1], $0xffff  }
0x26: {  	v3 =	vld.idx.msk [tilespmem:v0+s19+$0xFFFFFFF0 ss:$0x1], $0xffff  }
0x27: {  	v1 =	vld.idx.msk [tilespmem:v0+s19+$0x0 ss:$0x1], $0xffff  }
0x28: {  	v2 =	vld.idx.msk [tilespmem:v0+s19+$0x10 ss:$0x1], $0xffff;
	[tilespmem:s15+$0x30] =	vst v6  }
0x29: {  	s18 =	simm.s32 $0x80;
	s20 =	simm.s32 $0x400;
	[tilespmem:s15+$0xFFFFFFC0] =	vst v7;
	v6 =	vld.idx.msk [tilespmem:v0+s19+$0x20 ss:$0x1], $0xffff;
	s19 =	smov.u32 s15  }
.LBB1_4:
0x2a: {  	p0 =	sne.s32 s20, $0xE00;
	v7 =	vld.idx.msk [tilespmem:v0+s18+$0x30 ss:$0x1], $0xffff;
	[tilespmem:s19+$0xFFFFFFD0] =	vst v5  }
0x2b: {  	v8 =	vld.idx.msk [tilespmem:v0+s18+$0xFFFFFFC0 ss:$0x1], $0xffff;
	[tilespmem:s19+$0xFFFFFFE0] =	vst v4  }
0x2c: {  	v5 =	vld.idx.msk [tilespmem:v0+s18+$0xFFFFFFD0 ss:$0x1], $0xffff;
	[tilespmem:s19+$0xFFFFFFF0] =	vst v3  }
.Ltmp3:
0x2d: {  	v4 =	vld.idx.msk [tilespmem:v0+s18+$0xFFFFFFE0 ss:$0x1], $0xffff;
	[tilespmem:s19+$0x0] =	vst v1;
	(pc) =	sbr.rel @p0 .LBB1_4-.Ltmp3, $4  }
0x2e: {  	v3 =	vld.idx.msk [tilespmem:v0+s18+$0xFFFFFFF0 ss:$0x1], $0xffff;
	[tilespmem:s19+$0x10] =	vst v2  }
0x2f: {  	v1 =	vld.idx.msk [tilespmem:v0+s18+$0x0 ss:$0x1], $0xffff;
	[tilespmem:s19+$0x20] =	vst v6;
	s19 =	sadd.s32 $0x800, s19  }
0x30: {  	v2 =	vld.idx.msk [tilespmem:v0+s18+$0x10 ss:$0x1], $0xffff;
	[tilespmem:s19+$0x30] =	vst v7  }
0x31: {  	[tilespmem:s19+$0xFFFFFFC0] =	vst v8;
	v6 =	vld.idx.msk [tilespmem:v0+s18+$0x20 ss:$0x1], $0xffff;
	s18 =	sshra.s32 s20, $0x2;
	s20 =	sadd.s32 $0x200, s20  }
0x32: {  	_ =	sdelay $0x2  }
0x33: {  	[tilespmem:s19+$0xFFFFFFD0] =	vst v5  }
0x34: {  	v56 =	vld.idx.msk [tilespmem:v0+s18+$0x30 ss:$0x1], $0xffff;
	[tilespmem:s19+$0xFFFFFFE0] =	vst v4  }
0x35: {  	v57 =	vld.idx.msk [tilespmem:v0+s18+$0xFFFFFFC0 ss:$0x1], $0xffff;
	[tilespmem:s19+$0xFFFFFFF0] =	vst v3  }
0x36: {  	v58 =	vld.idx.msk [tilespmem:v0+s18+$0xFFFFFFD0 ss:$0x1], $0xffff;
	[tilespmem:s19+$0x0] =	vst v1  }
0x37: {  	v59 =	vld.idx.msk [tilespmem:v0+s18+$0xFFFFFFE0 ss:$0x1], $0xffff;
	[tilespmem:s19+$0x10] =	vst v2  }
0x38: {  	v60 =	vld.idx.msk [tilespmem:v0+s18+$0xFFFFFFF0 ss:$0x1], $0xffff;
	s31 =	sadd.s32 $0x800, s19;
	[tilespmem:s19+$0x20] =	vst v6  }
0x39: {  	v61 =	vld.idx.msk [tilespmem:v0+s18+$0x0 ss:$0x1], $0xffff;
	[tilespmem:s31+$0x30] =	vst v56  }
0x3a: {  	v62 =	vld.idx.msk [tilespmem:v0+s18+$0x10 ss:$0x1], $0xffff;
	s17 =	sadd.s32 $0x1, s17;
	[tilespmem:s31+$0xFFFFFFC0] =	vst v57  }
0x3b: {  	v63 =	vld.idx.msk [tilespmem:v0+s18+$0x20 ss:$0x1], $0xffff;
	p0 =	sne.s32 s17, $0x10;
	[tilespmem:s31+$0xFFFFFFD0] =	vst v58  }
.Ltmp4:
0x3c: {  	[tilespmem:s31+$0xFFFFFFE0] =	vst v59;
	(pc) =	sbr.rel @p0 .LBB1_3-.Ltmp4, $4  }
0x3d: {  	[tilespmem:s31+$0xFFFFFFF0] =	vst v60  }
0x3e: {  	[tilespmem:s31+$0x0] =	vst v61  }
0x3f: {  	[tilespmem:s31+$0x10] =	vst v62  }
0x40: {  	s15 =	sadd.s32 $0x80, s15;
	s16 =	sadd.s32 $0x400, s16;
	[tilespmem:s31+$0x20] =	vst v63  }
0x41: {  	s13 =	sand.u32 $0x1FFFFFF, s13  }
0x42: {  	s15 =	smulhi.u32 $0x14CE19B, s13;
	_ =	sdelay $0x1  }
0x43: {  	s15 =	sshrl.u32 s15, $0x7  }
0x44: {  	s15 =	smul.u32 $0x6270, s15  }
.Ltmp5:
0x45: {  	_ = 	snop;
	(pc) =	sbr.rel .LBB1_7-.Ltmp5, $4  }
0x46: {  	s13 =	ssub.s32 s13, s15  }
0x47: {  	s13 =	sshll.u32 s13, $0x4  }
0x48: {  	s13 =	sadd.s32 s5, s13  }
0x49: {  	[hbm4b:s13+s8] =	stream.strided.scatter [tilespmem:s14], [sflag:$0x2], $0x4000, s9, s8, $0x38;
	[tilespmem:$0x10000] =	vst v63  }
.LBB1_8:
0x4a: {  	_ =	sfence.sel $0x180000  }
0x4b: {  	s2 =	simm.s32 $0x1;
	[bflag:$0x0] =	sbarrier.arrive $0xFFFF  }
0x4c: {  	s31 =	simm.s32 $0x2;
	[sflag:s2] =	ssyncpa.u1 $0x1  }
0x4d: {  	[sflag:s31] =	ssyncpa.u1 $0x1  }
0x4e: {  	p0 =	sne.s32 s0, $0x0;
	_ =	strace $0x9000004A  }
0x4f: {  	s0 =	sadd.s32 @!p0 $0x100000, s1;
	[bflag:$0x2] =	sbarrier.arrive $0xFFFF  }
0x50: {  	[sflag:s0] =	ssyncadd.tile.s32 @!p0 $0x1;
	_ =	shalt  }
.Lfunc_end1:
_tile_overlayer_lowered:
.L_overlay_start_2:
0x51: {  	(tag) =	ssettag $0x2  }
0x52: {  	s0 =	rddreg [dreg:$0x0];
	s2 =	stileid.u32  }
0x53: {  	s1 =	rddreg [dreg:$0x1];
	p0 =	sne.s32 s2, $0x0  }
0x54: {  	s3 =	rddreg [dreg:$0x2];
	[bflag:$0x3] =	sbarrier.arrive $0xFFFF;
	s2 =	simm.s32 @!p0 $0x1C01  }
0x55: {  	[timem:s3], [sflag:s2] =	dma.local @!p0 [hbm:s0], s1  }
0x56: {  	s0 =	simm.s32 @!p0 $0x1  }
0x57: {  	_ =	swait.ge @!p0 [sflag:s0], s1  }
0x58: {  	s1 =	ssub.s32 @!p0 $0x0, s1;
	[sflag:s0] =	ssyncset.done @!p0 $0x0  }
0x59: {  	[sflag:s0] =	ssyncadd.s32 @!p0 s1  }
0x5a: {  	[bflag:$0x3] =	sbarrier.arrive $0xFFFF  }
0x5b: {  	_ =	shalt  }

// kernel: sparse-core-data-format-call.2.cloned.1.call-start
scs
called_computation.2_lowered:
.L_overlay_start_0:
0x0: {  	s1 =	sld [smem:$0x3FD9]  }
0x1: {  	s2 =	sld [smem:$0x3FFE];
	_ =	sdelay $0x1  }
0x2: {  	s3 =	srdreg.scid  }
0x3: {  	s0 =	sand.u32 $0x1, s3  }
0x4: {  	s17 =	sshll.u32 s0, $0xA;
	s1 =	sadd.s32 s2, s1  }
0x5: {  	s1 =	sadd.s32 s1, s17  }
0x6: {  	[smem:$0x3FC4] =	sst s1  }
0x7: {  	_ = 	snop  }
0x8: {  	(tm) =	ssettm $0x1  }
0x9: {  	s18 =	sld [smem:$0x3FFB];
	_ =	sdelay $0x3  }
0xa: {  	_ =	strace s18  }
0xb: {  	s1 =	sld [smem:$0x3FFC];
	_ =	sdelay $0x3  }
0xc: {  	_ =	strace s1  }
0xd: {  	s1 =	sld [smem:$0x3FFD];
	_ =	sdelay $0x3  }
0xe: {  	_ =	strace s1  }
0xf: {  	_ =	strace $0x8FFFFFFF  }
0x10: {  	s19 =	sld [smem:$0x3FDB];
	_ =	sdelay $0x1  }
0x11: {  	s20 =	simm.s32 $_scs_section_size  }
0x12: {  	s4 =	simm.s32 $_size__tile_overlayer_lowered;
	s5 =	simm.s32 $_tile_overlayer_lowered  }
0x13: {  	s23 =	simm.s32 $0x1BFF;
	s22 =	sshll.u32 s5, $0x1;
	s1 =	sadd.s32 s20, s19  }
0x14: {  	s6 =	simm.s32 $0x0;
	s21 =	sshll.u32 s4, $0x1;
	s4 =	sadd.s32 s22, s1  }
0x15: {  	[timem:s6], [sflag:s23] =	dma.local [hbm:s4], s21  }
0x16: {  	_ =	swait.ge [sflag:s23], s21  }
0x17: {  	s2 =	ssub.s32 $0x0, s21;
	[sflag:s23] =	ssyncset.done $0x0  }
0x18: {  	[sflag:s23] =	ssyncadd.s32 s2;
	_ =	sdelay $0x1  }
0x19: {  	s24 =	simm.s32 $0x1B8B  }
0x1a: {  	_ =	swait.ge [sflag:s24], $0x1  }
0x1b: {  	[sflag:s24] =	ssyncset.done $0x0  }
0x1c: {  	s26 =	simm.s32 $0x1B8E;
	s25 =	sld [smem:$0x3FFE];
	[sflag:s24] =	ssyncadd.s32 $0xFFFFFFFF  }
0x1d: {  	s27 =	simm.s32 $execute0_lowered;
	[smem:$0x3FD2] =	sst s26  }
0x1e: {  	s4 =	sshll.u32 s27, $0x1;
	_ =	strace $0x80000046;
	[dreg:$0x1] =	wrdreg $0xFFFFFFFF  }
0x1f: {  	s28 =	simm.s32 $_size_execute0_lowered;
	s1 =	sadd.s32 s1, s4;
	[dreg:$0x0] =	wrdreg $0x0  }
0x20: {  	s4 =	sshll.u32 s28, $0x1;
	[dreg:$0x2] =	wrdreg s1  }
0x21: {  	[dreg:$0x3] =	wrdreg s4  }
0x22: {  	[dreg:$0x4] =	wrdreg $0xC0  }
0x23: {  	_ =	task [dreg:s6], $0x5FFFF  }
0x24: {  	[dreg:$0x1] =	wrdreg $0xFFFFFFFF  }
0x25: {  	[dreg:$0x0] =	wrdreg $0x60  }
0x26: {  	[dreg:$0x2] =	wrdreg s25  }
0x27: {  	[dreg:$0x3] =	wrdreg $0x9  }
0x28: {  	_ =	task.clear_ibuf [dreg:s6], $0x4FFFF;
	_ =	strace $0x90000046  }
0x29: {  	s29 =	simm.s32 $0x9;
	_ =	strace $0x80000048  }
0x2a: {  	_ =	swait.ge [sflag:s29], $0x1  }
0x2b: {  	[sflag:s29] =	ssyncadd.s32 $0xFFFFFFFF  }
0x2c: {  	_ =	strace $0x90000048  }
0x2d: {  	_ =	sfence  }
0x2e: {  	s30 =	sld [smem:$0x0];
	_ =	sdelay $0x2  }
0x2f: {  	s31 =	sshll.u32 s3, $0xD;
	s3 =	sshrl.u32 s3, $0x2  }
0x30: {  	s2 =	sand.u32 $0x4000, s31;
	s1 =	sadd.s32 s3, s30  }
0x31: {  	s0 =	sor.u32 s2, s0;
	s1 =	sshll.u32 s1, $0x11  }
0x32: {  	s0 =	sor.u32 s1, s0  }
0x33: {  	s0 =	sadd.s32 $0x8F2B, s0  }
0x34: {  	[sflag:s0] =	ssyncadd.remote.s32 $0x1  }
0x35: {  	_ =	sfence.sel $0xFFFF  }
0x36: {  	[dreg:$0x0] =	wrdreg $0xFFFFFFFF;
	(pc) =	sbr.abs _section_cstart, $3  }
0x37: {  	[dreg:$0x1] =	wrdreg $0xFFFFFFFF  }
0x38: {  	_ =	task.clear_ibuf [dreg:s6], $0x2FFFF;
	_ =	strace $0x9FFFFFFF  }
0x39: {  	(tm) =	ssettm $0x7FFFFFFF  }
tec
execute0_lowered:
.L_overlay_start_1:
0x0: {  	(tag) =	ssettag $0x1  }
0x1: {  	s0 =	rddreg [dreg:$0x0]  }
0x2: {  	s1 =	srdreg.scid;
	_ =	strace $0x80000047;
	s2 =	stileid.u32  }
0x3: {  	s30 =	simm.s32 $0x1;
	s31 =	simm.s32 $0x2;
	s20 =	simm.s32 $0x0  }
0x4: {  	p0 =	por $0x0, $0x0;
	s22 =	simm.s32 $0x0;
	s19 =	simm.s32 $0x0  }
0x5: {  	s18 =	simm.s32 $0x0;
	s8 =	simm.s32 $0x0;
	s9 =	simm.s32 $0x0  }
0x6: {  	s11 =	simm.s32 $0x0;
	s12 =	simm.s32 $0x0;
	s14 =	simm.s32 $0x0  }
0x7: {  	s15 =	simm.s32 $0x0;
	s10 =	simm.s32 $0x0;
	s7 =	sadd.s32 $0x27D800, s0  }
.Ltmp0:
0x8: {  	s1 =	sshll.u32 s1, $0x4;
	s0 =	sadd.s32 $0x4D5800, s0;
	(pc) =	sbr.rel .LBB1_1-.Ltmp0, $4  }
0x9: {  	s17 =	sand.u32 $0x7, s2;
	s1 =	sand.u32 $0x10, s1;
	[dreg:$0x3] =	wrdreg s0  }
0xa: {  	[sflag:s30] =	ssyncpa.u1 $0x0;
	[dreg:$0x2] =	wrdreg s7;
	s29 =	sor.u32 s2, s1  }
0xb: {  	[sflag:s31] =	ssyncpa.u1 $0x0;
	[dreg:$0x4] =	wrdreg s17;
	s21 =	sshrl.u32 s29, $0x3  }
0xc: {  	s16 =	smov.u32 s17;
	s13 =	smov.u32 s21;
	[dreg:$0x5] =	wrdreg s21  }
.LBB1_11:
0xd: {  	s1 =	rddreg [dreg:$0x7]  }
0xe: {  	p1 =	sgt.s32 s9, $0x0;
	s0 =	smov.u32 s9;
	s26 =	rddreg [dreg:$0x8]  }
0xf: {  	s27 =	rddreg [dreg:$0x9];
	s0 =	simm.s32 @!p1 $0x0  }
0x10: {  	s28 =	rddreg [dreg:$0xa];
	s2 =	sshll.u32 s11, $0x7;
	s0 =	sadd.s32 s0, s1  }
0x11: {  	s5 =	rddreg [dreg:$0x3];
	p1 =	sgt.s32 s0, $0x7F;
	s0 =	ssub.s32 $0x80, s0  }
0x12: {  	s4 =	smul.u32 $0x7800, s8;
	s7 =	rddreg [dreg:$0x2];
	s0 =	simm.s32 @p1 $0x0  }
0x13: {  	s3 =	sshll.u32 s12, $0x4;
	s17 =	rddreg [dreg:$0x4];
	s0 =	smul.u32 s0, s26  }
0x14: {  	s29 =	sshrl.u32 s9, $0x3;
	s30 =	sand.u32 $0x7, s9;
	s21 =	rddreg [dreg:$0x5]  }
0x15: {  	s31 =	simm.s32 $0xC00;
	s22 =	rddreg [dreg:$0x6];
	s0 =	smul.u32 s27, s0  }
0x16: {  	s3 =	sand.u32 $0x70, s3;
	s2 =	sadd.s32 s5, s2;
	s1 =	smul.u32 $0x4080, s28  }
0x17: {  	s2 =	sadd.s32 s3, s2;
	s3 =	sshll.u32 s30, $0x12;
	s0 =	smul.u32 $0x50, s0  }
0x18: {  	s5 =	sand.u32 $0xF, s29;
	s2 =	sadd.s32 s4, s2;
	s3 =	sor.u32 $0x80, s3  }
0x19: {  	s1 =	sor.u32 $0x8000, s1;
	s2 =	sadd.s32 s5, s2;
	s0 =	sand.u32 $0x3FFFFFF0, s0  }
0x1a: {  	[hbm4b:s2+s3] =	stream.strided.scatter [tilespmem:s1], [sflag:$0x2], s0, s31, s3, $0x20;
	[tilespmem:$0x10100] =	vst v63  }
.LBB1_12:
0x1b: {  	p1 =	slt.u32 s10, $0x2  }
0x1c: {  	s0 =	smov.u32 s20;
	p2 =	sgt.s32 @!p1 s20, $0x4F  }
0x1d: {  	s5 =	smov.u32 s14;
	s1 =	sshra.s32 @!p1 s20, $0x1F;
	p2 =	por !p2, p1  }
0x1e: {  	s10 =	sadd.s32 $0x1, s10;
	s1 =	sand.u32 @!p1 s1, s20;
	s0 =	simm.s32 @p2 $0x4F  }
0x1f: {  	p0 =	por !p0, !p0;
	p3 =	sgt.s32 @!p1 s19, $0x2;
	s0 =	ssub.s32 @!p1 s0, s1  }
0x20: {  	s2 =	sshra.s32 @!p1 s19, $0x1F;
	s3 =	sshra.s32 @!p1 s18, $0x1F;
	s1 =	sadd.s32 @!p1 $0xFFFFFFB1, s0  }
0x21: {  	p3 =	por !p3, p1;
	p2 =	sgt.s32 @!p1 s1, $0x0;
	s1 =	smov.u32 s19  }
0x22: {  	s2 =	sand.u32 @!p1 s2, s19;
	s1 =	simm.s32 @p3 $0x2;
	p3 =	sgt.s32 @!p1 s18, $0x7  }
0x23: {  	s1 =	ssub.s32 @!p1 s1, s2;
	p3 =	por !p3, p1;
	s2 =	smov.u32 s18  }
0x24: {  	s3 =	sand.u32 @!p1 s3, s18;
	s0 =	ssub.s32 @!p1 $0x50, s0;
	s2 =	simm.s32 @p3 $0x7  }
0x25: {  	s0 =	smul.u32 @!p1 $0x50, s0;
	s4 =	sadd.s32 @!p1 $0xFFFFFFFE, s1;
	s2 =	ssub.s32 @!p1 s2, s3  }
0x26: {  	s1 =	ssub.s32 @!p1 $0x3, s1;
	p3 =	sgt.s32 @!p1 s4, $0x0;
	s3 =	sadd.s32 @!p1 $0xFFFFFFF9, s2  }
0x27: {  	s4 =	sadd.s32 $0x4, s13;
	p3 =	por !p3, p1;
	p4 =	sgt.s32 @!p1 s3, $0x0  }
0x28: {  	s2 =	ssub.s32 @!p1 $0x8, s2;
	s3 =	ssub.s32 @!p1 $0x0, s22;
	p4 =	por !p4, p1  }
0x29: {  	s1 =	simm.s32 @!p3 $0x0;
	s3 =	smin.u32 @!p1 s22, s3;
	s2 =	simm.s32 @!p4 $0x0  }
0x2a: {  	p3 =	sgt.s32 @!p1 s3, $0x7F;
	s3 =	ssub.s32 @!p1 $0x80, s3;
	p4 =	sgt.s32 s4, $0x4F  }
0x2b: {  	p3 =	por !p3, p1;
	s1 =	smul.u32 @!p1 s2, s1;
	s2 =	sadd.s32 $0x80, s14  }
0x2c: {  	p2 =	por !p2, p1;
	s3 =	simm.s32 @!p3 $0x0;
	s5 =	smov.u32 @p4 s2  }
0x2d: {  	s2 =	simm.s32 $0x1;
	s1 =	smul.u32 @!p1 s3, s1;
	p3 =	sgt.s32 s5, $0x4F  }
0x2e: {  	s20 =	smov.u32 s8;
	s0 =	simm.s32 @!p2 $0x0;
	s2 =	simm.s32 @!p3 $0x0  }
0x2f: {  	s8 =	smov.u32 s13;
	s0 =	smul.u32 @!p1 s0, s1;
	s1 =	sadd.s32 s2, s15  }
0x30: {  	s3 =	smov.u32 s16;
	s2 =	sadd.s32 $0x8, s16;
	p2 =	sgt.s32 s1, $0x2  }
0x31: {  	s19 =	smov.u32 s11;
	s11 =	smov.u32 s15;
	s3 =	smov.u32 @p2 s2  }
0x32: {  	s18 =	smov.u32 s12;
	s1 =	simm.s32 @p2 $0x0;
	p2 =	sgt.s32 s3, $0x7  }
0x33: {  	s12 =	smov.u32 s16;
	s3 =	smov.u32 @p2 s17;
	p2 =	sne.s32 s10, $0x3E  }
.Ltmp1:
0x34: {  	s22 =	smov.u32 s9;
	s9 =	smov.u32 s14;
	(pc) =	sbr.rel @!p2 .LBB1_13-.Ltmp1, $4  }
0x35: {  	s4 =	smov.u32 @p4 s21;
	s0 =	sand.u32 @!p1 $0x3FFFFFF0, s0;
	s2 =	simm.s32 @!p1 $0x2  }
0x36: {  	s13 =	smov.u32 s4;
	s5 =	simm.s32 @p3 $0x0;
	_ =	swait.ge @!p1 [sflag:s2], s0  }
0x37: {  	s14 =	smov.u32 s5;
	s0 =	ssub.s32 @!p1 $0x0, s0;
	[sflag:s2] =	ssyncset.done @!p1 $0x0  }
0x38: {  	s15 =	smov.u32 s1;
	[sflag:s2] =	ssyncadd.s32 @!p1 s0;
	s16 =	smov.u32 s3  }
.LBB1_1:
0x39: {  	p1 =	sgt.u32 s10, $0x3B;
	s0 =	smov.u32 s16  }
0x3a: {  	s2 =	smov.u32 s15;
	p2 =	sgt.s32 @!p1 s16, $0x7;
	s1 =	sshra.s32 @!p1 s16, $0x1F  }
0x3b: {  	s3 =	sshra.s32 @!p1 s15, $0x1F;
	p3 =	sgt.s32 @!p1 s14, $0xFFFFFFD0;
	p2 =	por !p2, p1  }
0x3c: {  	s4 =	sshra.s32 @!p1 s14, $0x1F;
	s0 =	simm.s32 @p2 $0x7;
	p2 =	sgt.s32 @!p1 s15, $0x2  }
0x3d: {  	s6 =	smul.u32 @!p1 $0x500, s14;
	s1 =	sand.u32 @!p1 s1, s16;
	p2 =	por !p2, p1  }
0x3e: {  	s3 =	sand.u32 @!p1 s3, s15;
	p3 =	por !p3, p1;
	s2 =	simm.s32 @p2 $0x2  }
0x3f: {  	s4 =	sand.u32 @!p1 s4, s14;
	s0 =	ssub.s32 @!p1 s0, s1;
	s1 =	ssub.s32 @!p1 s2, s3  }
0x40: {  	s0 =	sadd.s32 @!p1 $0xFFFFFFF9, s0;
	s2 =	sand.u32 @!p1 $0x1FFFFFF, s13;
	s3 =	sadd.s32 @!p1 $0xFFFFFFFE, s1  }
0x41: {  	s1 =	ssub.s32 @!p1 $0x3, s1;
	p2 =	sgt.s32 @!p1 s3, $0x0;
	s3 =	smov.u32 s14  }
0x42: {  	p2 =	por !p2, p1;
	s3 =	simm.s32 @p3 $0xFFFFFFD0;
	p3 =	sgt.s32 @!p1 s13, $0x4F  }
0x43: {  	s1 =	simm.s32 @!p2 $0x0;
	s3 =	ssub.s32 @!p1 s3, s4;
	p2 =	por !p3, p1  }
0x44: {  	s4 =	smov.u32 s13;
	p3 =	sgt.s32 @!p1 s0, $0x0;
	s0 =	sshll.u32 @!p1 s0, $0x7  }
0x45: {  	s5 =	sadd.s32 @!p1 $0x30, s3;
	s0 =	ssub.s32 @!p1 $0x80, s0;
	p3 =	por !p3, p1  }
0x46: {  	s4 =	simm.s32 @p2 $0x4F;
	p2 =	sgt.s32 @!p1 s5, $0x7F;
	s0 =	simm.s32 @!p3 $0x0  }
0x47: {  	s3 =	ssub.s32 @!p1 $0x50, s3;
	p2 =	por !p2, p1;
	s0 =	smul.u32 @!p1 s1, s0  }
0x48: {  	s5 =	sshra.s32 @!p1 s13, $0x1F;
	s1 =	smulhi.u32 @!p1 $0x3333334, s2;
	s3 =	simm.s32 @!p2 $0x0  }
0x49: {  	s5 =	sand.u32 @!p1 s5, s13;
	s0 =	smul.u32 @!p1 s3, s0  }
0x4a: {  	s4 =	ssub.s32 @!p1 s4, s5;
	s1 =	smul.u32 @!p1 $0x50, s1  }
0x4b: {  	s5 =	sadd.s32 @!p1 $0xFFFFFFB1, s4;
	s3 =	smul.u32 @!p1 $0x4B000, s16  }
0x4c: {  	s4 =	ssub.s32 @!p1 $0x50, s4;
	p2 =	sgt.s32 @!p1 s5, $0x0;
	s5 =	smul.u32 @!p1 $0x19000, s15  }
0x4d: {  	p2 =	por !p2, p1;
	s3 =	sadd.s32 @!p1 s7, s3;
	s1 =	ssub.s32 @!p1 s2, s1  }
0x4e: {  	s4 =	simm.s32 @!p2 $0x0;
	s2 =	sadd.s32 @!p1 s5, s3;
	s1 =	sshll.u32 @!p1 s1, $0x4  }
0x4f: {  	s0 =	smul.u32 @!p1 s4, s0;
	s4 =	sxor.u32 @!p1 $0xFFFFFFFF, s10;
	s2 =	sadd.s32 @!p1 s6, s2  }
0x50: {  	s3 =	simm.s32 @!p1 $0x2800;
	s4 =	sshll.u32 @!p1 s4, $0xE;
	s1 =	sadd.s32 @!p1 s1, s2  }
0x51: {  	s2 =	simm.s32 @!p1 $0x80;
	s4 =	sand.u32 @!p1 $0x4000, s4;
	s0 =	sand.u32 @!p1 $0x3FFFFF80, s0  }
0x52: {  	[tilespmem:s4], [sflag:$0x1] =	stream.strided.gather @!p1 [hbm4b:s1+s2], s0, s3, s2, $0x38;
	[tilespmem:$0x10100] =	vst v63  }
0x53: {  	p1 =	seq.s32 s10, $0x0  }
0x54: {  	p2 =	seq.s32 @!p1 s10, $0x3D  }
0x55: {  	p1 =	por p1, p2  }
.Ltmp2:
0x56: {  	_ = 	snop;
	(pc) =	sbr.rel @p1 .LBB1_12-.Ltmp2, $1  }
0x57: {  	_ =	sdelay $0x3  }
0x58: {  	[dreg:$0x6] =	wrdreg s22;
	p1 =	sgt.s32 s12, $0x7  }
0x59: {  	s0 =	smov.u32 s12;
	s1 =	sshra.s32 s12, $0x1F;
	s2 =	smov.u32 s11  }
0x5a: {  	s3 =	sshra.s32 s11, $0x1F;
	s23 =	ssub.s32 $0x0, s9;
	s24 =	sshra.s32 s9, $0x1F  }
0x5b: {  	s4 =	sshra.s32 s8, $0x1F;
	s0 =	simm.s32 @!p1 $0x7;
	s1 =	sand.u32 s1, s12  }
0x5c: {  	p1 =	sgt.s32 s11, $0x2;
	s21 =	sand.u32 s3, s11;
	s5 =	sand.u32 s23, s24  }
0x5d: {  	s3 =	smov.u32 s8;
	s0 =	ssub.s32 s0, s1;
	s2 =	simm.s32 @!p1 $0x2  }
0x5e: {  	s4 =	sand.u32 s4, s8;
	s22 =	sadd.s32 $0xFFFFFFF9, s0;
	s1 =	ssub.s32 s2, s21  }
0x5f: {  	s0 =	ssub.s32 $0x8, s0;
	p1 =	sgt.s32 s22, $0x0;
	s2 =	sadd.s32 $0xFFFFFFFE, s1  }
0x60: {  	s1 =	ssub.s32 $0x3, s1;
	s0 =	simm.s32 @p1 $0x0;
	p1 =	sgt.s32 s2, $0x0  }
0x61: {  	s2 =	smov.u32 s9;
	s1 =	simm.s32 @p1 $0x0;
	p1 =	sgt.s32 s9, $0xFFFFFFD0  }
0x62: {  	s2 =	simm.s32 @!p1 $0xFFFFFFD0;
	p1 =	sgt.s32 s8, $0x4F;
	s25 =	smul.u32 s0, s1  }
0x63: {  	s1 =	sadd.s32 $0x1, s12;
	s2 =	sadd.s32 s5, s2;
	s3 =	simm.s32 @!p1 $0x4F  }
0x64: {  	s26 =	sadd.s32 $0x30, s2;
	s27 =	ssub.s32 s3, s4;
	s0 =	ssub.s32 $0x50, s2  }
0x65: {  	[dreg:$0x8] =	wrdreg s25;
	p1 =	sgt.s32 s26, $0x7F;
	s29 =	sadd.s32 $0xFFFFFFB1, s27  }
0x66: {  	s3 =	ssub.s32 $0x50, s27;
	s0 =	simm.s32 @p1 $0x0;
	p1 =	sgt.s32 s29, $0x0  }
0x67: {  	s2 =	sadd.s32 $0x1, s11;
	s3 =	simm.s32 @p1 $0x0;
	p1 =	slt.s32 s1, $0x8  }
0x68: {  	s0 =	smul.u32 s0, s25;
	s1 =	simm.s32 @!p1 $0x8;
	p1 =	slt.s32 s2, $0x3  }
0x69: {  	s24 =	ssub.s32 s1, s12;
	s2 =	simm.s32 @!p1 $0x3;
	s1 =	sadd.s32 $0x80, s9  }
0x6a: {  	s25 =	ssub.s32 s2, s11;
	p2 =	slt.s32 s1, $0x50;
	p1 =	slt.s32 s24, $0x1  }
0x6b: {  	s2 =	sadd.s32 $0x1, s8;
	s1 =	simm.s32 @!p2 $0x50;
	p2 =	slt.s32 @!p1 s25, $0x1  }
0x6c: {  	p3 =	slt.s32 s2, $0x50;
	s26 =	ssub.s32 s1, s9;
	p2 =	por p1, p2  }
0x6d: {  	s2 =	simm.s32 @!p3 $0x50;
	p3 =	slt.s32 @!p2 s26, $0x1  }
0x6e: {  	s28 =	ssub.s32 s2, s8;
	p2 =	por p2, p3  }
0x6f: {  	s0 =	smul.u32 s3, s0;
	p3 =	slt.s32 @!p2 s28, $0x1  }
0x70: {  	p2 =	por p2, p3  }
.Ltmp3:
0x71: {  	[dreg:$0x7] =	wrdreg s5;
	s0 =	sshll.u32 s0, $0x7;
	(pc) =	sbr.rel @p2 .LBB1_11-.Ltmp3, $4  }
0x72: {  	s30 =	simm.s32 $0x1;
	[dreg:$0x9] =	wrdreg s3;
	s0 =	sand.u32 $0x3FFFFF80, s0  }
0x73: {  	_ =	swait.ge [sflag:s30], s0  }
0x74: {  	s31 =	sand.u32 $0x1, s10;
	s0 =	ssub.s32 $0x0, s0;
	[sflag:s30] =	ssyncset.done $0x0  }
0x75: {  	[dreg:$0xa] =	wrdreg s31;
	[sflag:s30] =	ssyncadd.s32 s0  }
0x76: {  	s0 =	simm.s32 $0x1  }
0x77: {  	s0 =	simm.s32 @!p0 $0x0  }
0x78: {  	s0 =	smul.u32 $0x10200, s0;
	_ =	sdelay $0x1  }
0x79: {  	s1 =	rddreg [dreg:$0xa];
	s31 =	simm.s32 $0x0;
	s0 =	sshrl.u32 s0, $0x2  }
0x7a: {  	s29 =	sshll.u32 @!p1 s1, $0xE;
	s30 =	sor.u32 $0x8000, s0;
	s0 =	simm.s32 $0x0  }
.LBB1_4:
0x7b: {  	s1 =	sand.u32 $0x7, s31  }
0x7c: {  	s1 =	smul.u32 $0x204, s1;
	_ =	sdelay $0x1  }
0x7d: {  	s1 =	sshrl.u32 s1, $0x2  }
0x7e: {  	s7 =	simm.s32 $0x0;
	s17 =	sadd.s32 s1, s30  }
.LBB1_5:
0x7f: {  	s1 =	sadd.s32 s0, s7  }
0x80: {  	s1 =	sshll.u32 s1, $0x10  }
0x81: {  	s4 =	simm.s32 $0x0;
	s1 =	sshra.s32 s1, $0x2  }
0x82: {  	s2 =	simm.s32 $0x0;
	s5 =	simm.s32 $0x0;
	s3 =	sadd.s32 s1, s29  }
.LBB1_6:
0x83: {  	s1 =	sshll.u32 s5, $0x9  }
0x84: {  	s1 =	sshra.s32 s1, $0x2  }
0x85: {  	s1 =	sadd.s32 s1, s3  }
0x86: {  	v0 =	vmov s1;
	_ =	sdelay $0x3  }
0x87: {  	s23 =	sand.u32 $0x380, s4;
	p1 =	sne.s32 s28, $0x1  }
.Ltmp4:
0x88: {  	v1 =	vld.idx.msk [tilespmem:v0+s23+$0x40 ss:$0x1], $0xffff;
	(pc) =	sbr.rel @!p1 .LBB1_8-.Ltmp4, $4  }
0x89: {  	s6 =	sand.u32 $0x7F, s2;
	v2 =	vld.idx.msk [tilespmem:v0+s23+$0x0 ss:$0x1], $0xffff  }
0x8a: {  	s6 =	sshll.u32 s6, $0x2;
	v3 =	vld.idx.msk [tilespmem:v0+s23+$0x10 ss:$0x1], $0xffff  }
0x8b: {  	s22 =	sadd.s32 $0xFFFFFFFF, s28;
	s21 =	sshrl.u32 s6, $0x2;
	v4 =	vld.idx.msk [tilespmem:v0+s23+$0x20 ss:$0x1], $0xffff  }
0x8c: {  	s27 =	simm.s32 $0x80;
	s6 =	sadd.s32 s21, s17;
	s1 =	smov.u32 s17;
	v5 =	vld.idx.msk [tilespmem:v0+s23+$0x30 ss:$0x1], $0xffff  }
.LBB1_7:
0x8d: {  	s23 =	sand.u32 $0x380, s27;
	p1 =	sne.s32 s22, $0x1;
	s22 =	sadd.s32 $0xFFFFFFFF, s22  }
.Ltmp5:
0x8e: {  	[tilespmem:s6+$0x2040 ss:$0x81] =	vst.msk $0xffff, v1;
	v1 =	vld.idx.msk [tilespmem:v0+s23+$0x40 ss:$0x1], $0xffff;
	(pc) =	sbr.rel @p1 .LBB1_7-.Ltmp5, $4  }
0x8f: {  	[tilespmem:s6+$0x0 ss:$0x81] =	vst.msk $0xffff, v2;
	v2 =	vld.idx.msk [tilespmem:v0+s23+$0x0 ss:$0x1], $0xffff  }
0x90: {  	[tilespmem:s6+$0x810 ss:$0x81] =	vst.msk $0xffff, v3;
	v3 =	vld.idx.msk [tilespmem:v0+s23+$0x10 ss:$0x1], $0xffff  }
0x91: {  	s1 =	sadd.s32 $0x4080, s1;
	[tilespmem:s6+$0x1020 ss:$0x81] =	vst.msk $0xffff, v4;
	v4 =	vld.idx.msk [tilespmem:v0+s23+$0x20 ss:$0x1], $0xffff  }
0x92: {  	s27 =	sadd.s32 $0x80, s27;
	[tilespmem:s6+$0x1830 ss:$0x81] =	vst.msk $0xffff, v5;
	v5 =	vld.idx.msk [tilespmem:v0+s23+$0x30 ss:$0x1], $0xffff;
	s6 =	sadd.s32 s21, s1  }
.LBB1_8:
0x93: {  	s5 =	sadd.s32 $0x1, s5  }
0x94: {  	p1 =	sne.s32 s5, s26  }
.Ltmp6:
0x95: {  	[tilespmem:s6+$0x2040 ss:$0x81] =	vst.msk $0xffff, v1;
	(pc) =	sbr.rel @p1 .LBB1_6-.Ltmp6, $4  }
0x96: {  	[tilespmem:s6+$0x0 ss:$0x81] =	vst.msk $0xffff, v2  }
0x97: {  	[tilespmem:s6+$0x810 ss:$0x81] =	vst.msk $0xffff, v3  }
0x98: {  	[tilespmem:s6+$0x1020 ss:$0x81] =	vst.msk $0xffff, v4  }
0x99: {  	s2 =	sadd.s32 $0x1, s2;
	[tilespmem:s6+$0x1830 ss:$0x81] =	vst.msk $0xffff, v5  }
0x9a: {  	s7 =	sadd.s32 $0x1, s7  }
0x9b: {  	p1 =	sne.s32 s7, s25  }
.Ltmp7:
0x9c: {  	_ = 	snop;
	(pc) =	sbr.rel @p1 .LBB1_5-.Ltmp7, $2  }
0x9d: {  	_ =	sdelay $0x2  }
0x9e: {  	s17 =	sadd.s32 $0x81, s17  }
0x9f: {  	s0 =	sadd.s32 $0x1, s0  }
0xa0: {  	p1 =	sne.s32 s0, s24  }
.Ltmp8:
0xa1: {  	_ = 	snop;
	(pc) =	sbr.rel @p1 .LBB1_4-.Ltmp8, $4  }
.Ltmp9:
0xa2: {  	_ = 	snop;
	(pc) =	sbr.rel @!p1 .LBB1_11-.Ltmp9, $4  }
0xa3: {  	_ = 	snop  }
0xa4: {  	_ = 	snop  }
0xa5: {  	s31 =	sadd.s32 $0x1, s31  }
0xa6: {  	_ = 	snop  }
.LBB1_13:
0xa7: {  	_ =	sfence.sel $0x180000  }
0xa8: {  	s0 =	simm.s32 $0x1;
	[bflag:$0x0] =	sbarrier.arrive $0xFFFF  }
0xa9: {  	s30 =	simm.s32 $0x2;
	[sflag:s0] =	ssyncpa.u1 $0x1  }
0xaa: {  	[sflag:s30] =	ssyncpa.u1 $0x1  }
0xab: {  	_ =	strace $0x90000047  }
0xac: {  	s31 =	stileid.u32;
	[bflag:$0x2] =	sbarrier.arrive $0xFFFF  }
0xad: {  	p0 =	sne.s32 s31, $0x0;
	s0 =	rddreg [dreg:$0x1]  }
0xae: {  	s0 =	sadd.s32 @!p0 $0x100000, s0  }
0xaf: {  	[sflag:s0] =	ssyncadd.tile.s32 @!p0 $0x1;
	_ =	shalt  }
.Lfunc_end1:
_tile_overlayer_lowered:
.L_overlay_start_2:
0xb0: {  	(tag) =	ssettag $0x2  }
0xb1: {  	s0 =	rddreg [dreg:$0x0];
	s2 =	stileid.u32  }
0xb2: {  	s1 =	rddreg [dreg:$0x1];
	p0 =	sne.s32 s2, $0x0  }
0xb3: {  	s3 =	rddreg [dreg:$0x2];
	[bflag:$0x3] =	sbarrier.arrive $0xFFFF;
	s2 =	simm.s32 @!p0 $0x1C01  }
0xb4: {  	[timem:s3], [sflag:s2] =	dma.local @!p0 [hbm:s0], s1  }
0xb5: {  	s0 =	simm.s32 @!p0 $0x1  }
0xb6: {  	_ =	swait.ge @!p0 [sflag:s0], s1  }
0xb7: {  	s1 =	ssub.s32 @!p0 $0x0, s1;
	[sflag:s0] =	ssyncset.done @!p0 $0x0  }
0xb8: {  	[sflag:s0] =	ssyncadd.s32 @!p0 s1  }
0xb9: {  	[bflag:$0x3] =	sbarrier.arrive $0xFFFF  }
0xba: {  	_ =	shalt  }

// kernel: sparse-core-data-format-call.cloned.1.call-start
scs
called_computation_lowered:
.L_overlay_start_0:
0x0: {  	s1 =	sld [smem:$0x3FD9]  }
0x1: {  	s2 =	sld [smem:$0x3FFE];
	_ =	sdelay $0x1  }
0x2: {  	s3 =	srdreg.scid  }
0x3: {  	s0 =	sand.u32 $0x1, s3  }
0x4: {  	s17 =	sshll.u32 s0, $0xA;
	s1 =	sadd.s32 s2, s1  }
0x5: {  	s1 =	sadd.s32 s1, s17  }
0x6: {  	[smem:$0x3FC4] =	sst s1  }
0x7: {  	_ = 	snop  }
0x8: {  	(tm) =	ssettm $0x1  }
0x9: {  	s18 =	sld [smem:$0x3FFB];
	_ =	sdelay $0x3  }
0xa: {  	_ =	strace s18  }
0xb: {  	s1 =	sld [smem:$0x3FFC];
	_ =	sdelay $0x3  }
0xc: {  	_ =	strace s1  }
0xd: {  	s1 =	sld [smem:$0x3FFD];
	_ =	sdelay $0x3  }
0xe: {  	_ =	strace s1  }
0xf: {  	_ =	strace $0x8FFFFFFF  }
0x10: {  	s19 =	sld [smem:$0x3FDB];
	_ =	sdelay $0x1  }
0x11: {  	s20 =	simm.s32 $_scs_section_size  }
0x12: {  	s4 =	simm.s32 $_size__tile_overlayer_lowered;
	s5 =	simm.s32 $_tile_overlayer_lowered  }
0x13: {  	s23 =	simm.s32 $0x1BFF;
	s22 =	sshll.u32 s5, $0x1;
	s1 =	sadd.s32 s20, s19  }
0x14: {  	s6 =	simm.s32 $0x0;
	s21 =	sshll.u32 s4, $0x1;
	s4 =	sadd.s32 s22, s1  }
0x15: {  	[timem:s6], [sflag:s23] =	dma.local [hbm:s4], s21  }
0x16: {  	_ =	swait.ge [sflag:s23], s21  }
0x17: {  	s2 =	ssub.s32 $0x0, s21;
	[sflag:s23] =	ssyncset.done $0x0  }
0x18: {  	[sflag:s23] =	ssyncadd.s32 s2;
	_ =	sdelay $0x1  }
0x19: {  	s24 =	simm.s32 $0x1B8B  }
0x1a: {  	_ =	swait.ge [sflag:s24], $0x1  }
0x1b: {  	[sflag:s24] =	ssyncset.done $0x0  }
0x1c: {  	s26 =	simm.s32 $0x1B8E;
	s25 =	sld [smem:$0x3FFE];
	[sflag:s24] =	ssyncadd.s32 $0xFFFFFFFF  }
0x1d: {  	s27 =	simm.s32 $execute0_lowered;
	[smem:$0x3FD2] =	sst s26  }
0x1e: {  	s4 =	sshll.u32 s27, $0x1;
	_ =	strace $0x8000004C;
	[dreg:$0x1] =	wrdreg $0xFFFFFFFF  }
0x1f: {  	s28 =	simm.s32 $_size_execute0_lowered;
	s1 =	sadd.s32 s1, s4;
	[dreg:$0x0] =	wrdreg $0x0  }
0x20: {  	s4 =	sshll.u32 s28, $0x1;
	[dreg:$0x2] =	wrdreg s1  }
0x21: {  	[dreg:$0x3] =	wrdreg s4  }
0x22: {  	[dreg:$0x4] =	wrdreg $0xC0  }
0x23: {  	_ =	task [dreg:s6], $0x5FFFF  }
0x24: {  	[dreg:$0x1] =	wrdreg $0xFFFFFFFF  }
0x25: {  	[dreg:$0x0] =	wrdreg $0x60  }
0x26: {  	[dreg:$0x2] =	wrdreg s25  }
0x27: {  	[dreg:$0x3] =	wrdreg $0x9  }
0x28: {  	_ =	task.clear_ibuf [dreg:s6], $0x4FFFF;
	_ =	strace $0x9000004C  }
0x29: {  	s29 =	simm.s32 $0x9;
	_ =	strace $0x8000004E  }
0x2a: {  	_ =	swait.ge [sflag:s29], $0x1  }
0x2b: {  	[sflag:s29] =	ssyncadd.s32 $0xFFFFFFFF  }
0x2c: {  	_ =	strace $0x9000004E  }
0x2d: {  	_ =	sfence  }
0x2e: {  	s30 =	sld [smem:$0x0];
	_ =	sdelay $0x2  }
0x2f: {  	s31 =	sshll.u32 s3, $0xD;
	s3 =	sshrl.u32 s3, $0x2  }
0x30: {  	s2 =	sand.u32 $0x4000, s31;
	s1 =	sadd.s32 s3, s30  }
0x31: {  	s0 =	sor.u32 s2, s0;
	s1 =	sshll.u32 s1, $0x11  }
0x32: {  	s0 =	sor.u32 s1, s0  }
0x33: {  	s0 =	sadd.s32 $0x8F2B, s0  }
0x34: {  	[sflag:s0] =	ssyncadd.remote.s32 $0x1  }
0x35: {  	_ =	sfence.sel $0xFFFF  }
0x36: {  	[dreg:$0x0] =	wrdreg $0xFFFFFFFF;
	(pc) =	sbr.abs _section_cstart, $3  }
0x37: {  	[dreg:$0x1] =	wrdreg $0xFFFFFFFF  }
0x38: {  	_ =	task.clear_ibuf [dreg:s6], $0x2FFFF;
	_ =	strace $0x9FFFFFFF  }
0x39: {  	(tm) =	ssettm $0x7FFFFFFF  }
tec
execute0_lowered:
.L_overlay_start_1:
0x0: {  	(tag) =	ssettag $0x1  }
0x1: {  	s0 =	stileid.u32  }
0x2: {  	s4 =	rddreg [dreg:$0x0];
	s7 =	srdreg.scid  }
0x3: {  	s31 =	simm.s32 $0x2;
	s16 =	simm.s32 $0x0;
	s9 =	simm.s32 $0x2000  }
0x4: {  	s15 =	simm.s32 $0x0;
	s10 =	simm.s32 $0x0;
	s1 =	sshll.u32 s0, $0x7  }
0x5: {  	s11 =	simm.s32 $0x0;
	s14 =	simm.s32 $0x0;
	s2 =	sand.u32 $0x380, s1  }
0x6: {  	s3 =	sadd.s32 $0x591000, s4;
	s4 =	sadd.s32 $0x27D800, s4;
	s5 =	ssub.s32 $0x400, s2  }
0x7: {  	s8 =	sshll.u32 s0, $0x4;
	s7 =	sshll.u32 s7, $0x8;
	s6 =	sand.u32 $0x380, s5  }
0x8: {  	s1 =	rddreg [dreg:$0x1];
	p0 =	sne.s32 s6, $0x0;
	s6 =	simm.s32 $0x1  }
.Ltmp0:
0x9: {  	s5 =	sshrl.u32 s5, $0xA;
	s6 =	simm.s32 @!p0 $0x0;
	(pc) =	sbr.rel .LBB1_1-.Ltmp0, $4  }
0xa: {  	_ =	strace $0x8000004D;
	s7 =	sor.u32 s8, s7;
	s6 =	sadd.s32 s6, s5  }
0xb: {  	s7 =	sand.u32 $0x180, s7;
	s5 =	simm.s32 $0x1;
	s6 =	smul.u32 $0x1F, s6  }
0xc: {  	s13 =	smov.u32 s2;
	s12 =	smov.u32 s7;
	[sflag:s5] =	ssyncpa.u1 $0x0  }
0xd: {  	p0 =	por $0x0, $0x0;
	[sflag:s31] =	ssyncpa.u1 $0x0;
	s8 =	sadd.s32 $0x1, s6  }
.LBB1_4:
0xe: {  	s21 =	sshra.s32 s21, $0x2;
	s27 =	sshll.u32 s10, $0xA;
	s22 =	sshll.u32 s11, $0x3  }
0xf: {  	s23 =	sshll.u32 s10, $0x7;
	s24 =	sand.u32 $0x78, s11;
	p1 =	sgt.s32 s10, $0x3D08  }
0x10: {  	s25 =	sshra.s32 s10, $0x1F;
	s26 =	sshra.s32 s11, $0x1F;
	s20 =	sadd.s32 s21, s20  }
0x11: {  	v5 =	vld [tilespmem:s18+$0xFFFFFFD0];
	[tilespmem:s19+$0x2040 ss:$0x81] =	vst.msk $0xffff, v4;
	s21 =	sand.u32 $0xFFFFE000, s27;
	s22 =	sand.u32 $0xFFFFFC00, s22;
	s28 =	sand.u32 $0x380, s23  }
0x12: {  	v58 =	vld [tilespmem:s18+$0xFFFFFFE0];
	[tilespmem:s19+$0x2850 ss:$0x81] =	vst.msk $0xffff, v3;
	s23 =	smov.u32 s10;
	s30 =	sand.u32 s25, s10;
	s25 =	smov.u32 s11  }
0x13: {  	v59 =	vld [tilespmem:s18+$0xFFFFFFF0];
	[tilespmem:s19+$0x3060 ss:$0x81] =	vst.msk $0xffff, v2;
	s31 =	sand.u32 s26, s11;
	s21 =	sadd.s32 s22, s21;
	s22 =	sor.u32 s24, s28  }
0x14: {  	v60 =	vld [tilespmem:s18+$0x0];
	[tilespmem:s19+$0x0 ss:$0x81] =	vst.msk $0xffff, v1;
	s23 =	simm.s32 @!p1 $0x3D08;
	p1 =	sgt.s32 s11, $0x380;
	s21 =	sshrl.u32 s21, $0xA  }
0x15: {  	v61 =	vld [tilespmem:s18+$0x10];
	[tilespmem:s20+$0x3870 ss:$0x81] =	vst.msk $0xffff, v0;
	s19 =	ssub.s32 s23, s30;
	s25 =	simm.s32 @!p1 $0x380;
	s29 =	smulhi.u32 $0x10A457, s21  }
0x16: {  	v62 =	vld [tilespmem:s18+$0x20];
	s23 =	ssub.s32 s25, s31;
	s26 =	sadd.s32 $0xFFFFC2F8, s19;
	s19 =	ssub.s32 $0x3D88, s19;
	[tilespmem:s20+$0x810 ss:$0x81] =	vst.msk $0xffff, v5  }
0x17: {  	v63 =	vld [tilespmem:s18+$0xFFFFFFC0];
	[tilespmem:s20+$0x1020 ss:$0x81] =	vst.msk $0xffff, v58;
	p1 =	sgt.s32 s26, $0x7F;
	s28 =	sadd.s32 $0xFFFFFC80, s23;
	s24 =	sshrl.u32 s29, $0x2  }
0x18: {  	[tilespmem:s20+$0x1830 ss:$0x81] =	vst.msk $0xffff, v59;
	s23 =	ssub.s32 $0x400, s23;
	p2 =	sgt.s32 s28, $0x7F;
	s27 =	smul.u32 $0x3D88, s24  }
0x19: {  	s30 =	sand.u32 $0x7, s11;
	[tilespmem:s20+$0x2040 ss:$0x81] =	vst.msk $0xffff, v60;
	s19 =	simm.s32 @p1 $0x0;
	s23 =	simm.s32 @p2 $0x0  }
0x1a: {  	[tilespmem:s20+$0x2850 ss:$0x81] =	vst.msk $0xffff, v61;
	s29 =	sshrl.u32 s22, $0x3;
	s19 =	smul.u32 s23, s19;
	s18 =	ssub.s32 s21, s27  }
0x1b: {  	[tilespmem:s20+$0x3060 ss:$0x81] =	vst.msk $0xffff, v62;
	s22 =	sshll.u32 s30, $0x12;
	s21 =	sadd.s32 s4, s29;
	s18 =	sshll.u32 s18, $0x7  }
0x1c: {  	[tilespmem:s20+$0x0 ss:$0x81] =	vst.msk $0xffff, v63;
	s31 =	sor.u32 $0x400, s22;
	s19 =	sand.u32 $0x3FFFFFFF, s19;
	s18 =	sadd.s32 s18, s21  }
0x1d: {  	[hbm4b:s18+s31] =	stream.strided.scatter [tilespmem:s17], [sflag:$0x2], s19, s9, s31, $0x20;
	[tilespmem:$0x10100] =	vst v63  }
.LBB1_5:
0x1e: {  	p1 =	slt.u32 s14, $0x2  }
0x1f: {  	s18 =	smov.u32 s16;
	p2 =	sgt.s32 @!p1 s16, $0x3D08;
	s17 =	sshra.s32 @!p1 s16, $0x1F  }
0x20: {  	p3 =	sgt.s32 @!p1 s15, $0x380;
	s19 =	sshra.s32 @!p1 s15, $0x1F;
	p2 =	por !p2, p1  }
0x21: {  	s16 =	sand.u32 @!p1 s17, s16;
	p3 =	por !p3, p1;
	s17 =	smov.u32 s15  }
0x22: {  	s15 =	sand.u32 @!p1 s19, s15;
	s18 =	simm.s32 @p2 $0x3D08;
	s17 =	simm.s32 @p3 $0x380  }
0x23: {  	s16 =	ssub.s32 @!p1 s18, s16;
	s15 =	ssub.s32 @!p1 s17, s15  }
0x24: {  	s19 =	smov.u32 s13;
	s17 =	sadd.s32 @!p1 $0xFFFFC2F8, s16;
	s18 =	sadd.s32 @!p1 $0xFFFFFC80, s15  }
0x25: {  	s16 =	ssub.s32 @!p1 $0x3D88, s16;
	p2 =	sgt.s32 @!p1 s17, $0x7F;
	p3 =	sgt.s32 @!p1 s18, $0x7F  }
0x26: {  	s15 =	ssub.s32 @!p1 $0x400, s15;
	p2 =	por !p2, p1;
	p3 =	por !p3, p1  }
0x27: {  	s17 =	sadd.s32 $0x200, s12;
	s16 =	simm.s32 @!p2 $0x0;
	s15 =	simm.s32 @!p3 $0x0  }
0x28: {  	p2 =	sgt.s32 s17, $0x3D85;
	s15 =	smul.u32 @!p1 s15, s16;
	s16 =	sadd.s32 $0x400, s13  }
0x29: {  	s19 =	smov.u32 @p2 s16  }
0x2a: {  	s17 =	smov.u32 @p2 s7;
	p2 =	sgt.s32 s19, $0x3FF  }
0x2b: {  	s19 =	smov.u32 @p2 s2;
	p2 =	sne.s32 s14, s8  }
.Ltmp1:
0x2c: {  	p0 =	por !p0, !p0;
	s18 =	simm.s32 @!p1 $0x2;
	(pc) =	sbr.rel @!p2 .LBB1_6-.Ltmp1, $4  }
0x2d: {  	s16 =	smov.u32 s10;
	s10 =	smov.u32 s12;
	s15 =	sand.u32 @!p1 $0x3FFFFFFF, s15  }
0x2e: {  	s12 =	smov.u32 s17;
	_ =	swait.ge @!p1 [sflag:s18], s15;
	s20 =	ssub.s32 @!p1 $0x0, s15  }
0x2f: {  	s15 =	smov.u32 s11;
	s14 =	sadd.s32 $0x1, s14;
	[sflag:s18] =	ssyncset.done @!p1 $0x0  }
0x30: {  	s11 =	smov.u32 s13;
	s13 =	smov.u32 s19;
	[sflag:s18] =	ssyncadd.s32 @!p1 s20  }
.LBB1_1:
0x31: {  	p1 =	sge.u32 s14, s6  }
0x32: {  	s17 =	sshrl.u32 @!p1 s13, $0x3  }
0x33: {  	s18 =	sshll.u32 @!p1 s12, $0x3;
	s17 =	smul.u32 @!p1 $0x1F000, s17  }
0x34: {  	s19 =	sshll.u32 @!p1 s13, $0x7;
	s18 =	sand.u32 @!p1 $0xFFFFFC00, s18  }
0x35: {  	s17 =	sadd.s32 @!p1 s17, s18;
	s18 =	sand.u32 @!p1 $0x380, s19  }
0x36: {  	s17 =	sor.u32 @!p1 s18, s17  }
0x37: {  	s18 =	sshrl.u32 @!p1 s17, $0x9  }
0x38: {  	s18 =	smulhi.u32 @!p1 $0x8421085, s18;
	_ =	sdelay $0x1  }
0x39: {  	s19 =	sand.u32 @!p1 $0x7F, s12;
	s20 =	smul.u32 @!p1 $0x3E00, s18  }
0x3a: {  	s31 =	sadd.s32 $0xFFFFFFFF, s14;
	s17 =	sor.u32 @!p1 s19, s17;
	s19 =	sxor.u32 @!p1 $0xFFFFFFFF, s14  }
0x3b: {  	s19 =	sshll.u32 @!p1 s19, $0xE;
	s18 =	sand.u32 @!p1 $0x3FF, s18;
	s17 =	ssub.s32 @!p1 s17, s20  }
0x3c: {  	s18 =	smul.u32 @!p1 $0x7C0, s18;
	s20 =	sshrl.u32 @!p1 s17, $0x3;
	s17 =	sand.u32 @!p1 $0x7, s17  }
0x3d: {  	s19 =	sand.u32 @!p1 $0x4000, s19;
	s20 =	sadd.s32 @!p1 s3, s20;
	s17 =	sshll.u32 @!p1 s17, $0x12  }
0x3e: {  	s18 =	sadd.s32 @!p1 s18, s20;
	s17 =	sor.u32 @!p1 $0x400, s17;
	s20 =	simm.s32 @!p1 $0x1F000  }
0x3f: {  	[tilespmem:s19], [sflag:$0x1] =	stream.strided.gather @!p1 [hbm4b:s18+s17], $0x4000, s20, s17, $0x38;
	[tilespmem:$0x10100] =	vst v63  }
0x40: {  	p1 =	sge.u32 s31, s6  }
.Ltmp2:
0x41: {  	_ = 	snop;
	(pc) =	sbr.rel @p1 .LBB1_5-.Ltmp2, $1  }
0x42: {  	_ =	sdelay $0x3  }
0x43: {  	s17 =	simm.s32 $0x1  }
0x44: {  	_ =	swait.ge [sflag:s5], $0x4000;
	s17 =	simm.s32 @!p0 $0x0  }
0x45: {  	[sflag:s5] =	ssyncset.done $0x0;
	s18 =	sshll.u32 s17, $0xE  }
0x46: {  	[sflag:s5] =	ssyncadd.s32 $0xFFFFC000;
	s18 =	sor.u32 $0x40, s18  }
0x47: {  	s17 =	smul.u32 $0x10200, s17;
	v0 =	vld [tilespmem:s18+$0x30]  }
0x48: {  	v1 =	vld [tilespmem:s18+$0xFFFFFFD0]  }
0x49: {  	s17 =	sshrl.u32 s17, $0x2;
	v5 =	vld [tilespmem:s18+$0xFFFFFFE0]  }
0x4a: {  	v6 =	vld [tilespmem:s18+$0xFFFFFFF0];
	s20 =	sor.u32 $0x8000, s17  }
0x4b: {  	s31 =	sand.u32 $0x1, s14;
	v4 =	vld [tilespmem:s18+$0x0];
	s19 =	sadd.s32 $0x0, s20  }
0x4c: {  	v3 =	vld [tilespmem:s18+$0x10];
	s17 =	smul.u32 $0x10200, s31;
	[tilespmem:s19+$0x3870 ss:$0x81] =	vst.msk $0xffff, v0  }
0x4d: {  	v2 =	vld [tilespmem:s18+$0x20];
	[tilespmem:s19+$0x810 ss:$0x81] =	vst.msk $0xffff, v1  }
0x4e: {  	s17 =	sshrl.u32 s17, $0x2;
	v1 =	vld [tilespmem:s18+$0xFFFFFFC0];
	[tilespmem:s19+$0x1020 ss:$0x81] =	vst.msk $0xffff, v5;
	s18 =	sadd.s32 $0x80, s18  }
0x4f: {  	s21 =	simm.s32 $0x4;
	s22 =	simm.s32 $0x8;
	s17 =	sor.u32 $0x8000, s17;
	[tilespmem:s19+$0x1830 ss:$0x81] =	vst.msk $0xffff, v6;
	v0 =	vld [tilespmem:s18+$0x30]  }
.LBB1_3:
0x50: {  	p1 =	sne.s32 s22, $0x1FC;
	v5 =	vld [tilespmem:s18+$0xFFFFFFD0];
	[tilespmem:s19+$0x2040 ss:$0x81] =	vst.msk $0xffff, v4  }
0x51: {  	v6 =	vld [tilespmem:s18+$0xFFFFFFE0];
	[tilespmem:s19+$0x2850 ss:$0x81] =	vst.msk $0xffff, v3  }
0x52: {  	s23 =	sshra.s32 s21, $0x2;
	s21 =	smov.u32 s22;
	v7 =	vld [tilespmem:s18+$0xFFFFFFF0];
	[tilespmem:s19+$0x3060 ss:$0x81] =	vst.msk $0xffff, v2  }
.Ltmp3:
0x53: {  	v4 =	vld [tilespmem:s18+$0x0];
	[tilespmem:s19+$0x0 ss:$0x81] =	vst.msk $0xffff, v1;
	s19 =	sadd.s32 s23, s20;
	(pc) =	sbr.rel @p1 .LBB1_3-.Ltmp3, $4  }
0x54: {  	v3 =	vld [tilespmem:s18+$0x10];
	[tilespmem:s19+$0x3870 ss:$0x81] =	vst.msk $0xffff, v0  }
0x55: {  	[tilespmem:s19+$0x810 ss:$0x81] =	vst.msk $0xffff, v5;
	v2 =	vld [tilespmem:s18+$0x20]  }
0x56: {  	v1 =	vld [tilespmem:s18+$0xFFFFFFC0];
	[tilespmem:s19+$0x1020 ss:$0x81] =	vst.msk $0xffff, v6;
	s18 =	sadd.s32 $0x80, s18  }
0x57: {  	s22 =	sadd.s32 $0x4, s22;
	v0 =	vld [tilespmem:s18+$0x30];
	[tilespmem:s19+$0x1830 ss:$0x81] =	vst.msk $0xffff, v7  }
.Ltmp4:
0x58: {  	_ = 	snop;
	(pc) =	sbr.rel .LBB1_4-.Ltmp4, $1  }
0x59: {  	_ =	sdelay $0x3  }
.LBB1_6:
0x5a: {  	_ =	sfence.sel $0x180000  }
0x5b: {  	s2 =	simm.s32 $0x1;
	[bflag:$0x0] =	sbarrier.arrive $0xFFFF  }
0x5c: {  	s31 =	simm.s32 $0x2;
	[sflag:s2] =	ssyncpa.u1 $0x1  }
0x5d: {  	[sflag:s31] =	ssyncpa.u1 $0x1  }
0x5e: {  	p0 =	sne.s32 s0, $0x0;
	_ =	strace $0x9000004D  }
0x5f: {  	s0 =	sadd.s32 @!p0 $0x100000, s1;
	[bflag:$0x2] =	sbarrier.arrive $0xFFFF  }
0x60: {  	[sflag:s0] =	ssyncadd.tile.s32 @!p0 $0x1;
	_ =	shalt  }
.Lfunc_end1:
_tile_overlayer_lowered:
.L_overlay_start_2:
0x61: {  	(tag) =	ssettag $0x2  }
0x62: {  	s0 =	rddreg [dreg:$0x0];
	s2 =	stileid.u32  }
0x63: {  	s1 =	rddreg [dreg:$0x1];
	p0 =	sne.s32 s2, $0x0  }
0x64: {  	s3 =	rddreg [dreg:$0x2];
	[bflag:$0x3] =	sbarrier.arrive $0xFFFF;
	s2 =	simm.s32 @!p0 $0x1C01  }
0x65: {  	[timem:s3], [sflag:s2] =	dma.local @!p0 [hbm:s0], s1  }
0x66: {  	s0 =	simm.s32 @!p0 $0x1  }
0x67: {  	_ =	swait.ge @!p0 [sflag:s0], s1  }
0x68: {  	s1 =	ssub.s32 @!p0 $0x0, s1;
	[sflag:s0] =	ssyncset.done @!p0 $0x0  }
0x69: {  	[sflag:s0] =	ssyncadd.s32 @!p0 s1  }
0x6a: {  	[bflag:$0x3] =	sbarrier.arrive $0xFFFF  }
0x6b: {  	_ =	shalt  }

</sc_bundles>
